<compile_context>
chip_gen: v7x
topology: tpu7x:2x2x1
jax: 0.10.2.dev20260603
libtpu: 0.0.44.dev20260713+nightly
codegen_flags: <defaults>
</compile_context>

<pallas_src>
import functools

import jax
import jax.numpy as jnp
from jax import lax
from jax.experimental import pallas as pl
from jax.experimental.pallas import tpu as pltpu
from jax.experimental.pallas import tpu_sc as plsc

N_ROWS = 128
N_VOCAB = 100000
L = 16
NV = N_VOCAB // L
B1 = 4096
B2 = 1024
S1 = 256.0
S2 = S1 * B2
TOP_P = 0.95
NC = 2
NS = 16
ROWS_PER = N_ROWS // (NC * NS)


def _bf_sum(v):
    idx = lax.iota(jnp.int32, L)
    for s in (8, 4, 2, 1):
        v = v + jnp.take(v, jnp.bitwise_xor(idx, s))
    return v


def _bf_max(v):
    idx = lax.iota(jnp.int32, L)
    for s in (8, 4, 2, 1):
        v = jnp.maximum(v, jnp.take(v, jnp.bitwise_xor(idx, s)))
    return v


def _nucleus_body(x_hbm, out_hbm, row_v, h1_v, h2_v):
    wid = lax.axis_index("s") * NC + lax.axis_index("c")
    zeros = jnp.zeros((L,), jnp.float32)
    ones = jnp.ones((L,), jnp.float32)
    izeros = jnp.zeros((L,), jnp.int32)
    iones = jnp.ones((L,), jnp.int32)

    def per_row(r, _carry):
        row = wid * ROWS_PER + r
        pltpu.sync_copy(x_hbm.at[row], row_v)

        U1 = 10
        def p1(i, accs):
            a = list(accs)
            for j in range(U1):
                a[j % 4] = jnp.maximum(a[j % 4], row_v[pl.ds((i * U1 + j) * L, L)])
            return tuple(a)

        neg = jnp.full((L,), -jnp.inf, jnp.float32)
        a0, a1, a2, a3 = lax.fori_loop(0, NV // U1, p1, (neg, neg, neg, neg))
        m = _bf_max(jnp.maximum(jnp.maximum(a0, a1), jnp.maximum(a2, a3)))

        def z1(i, c):
            for j in range(16):
                h1_v[pl.ds((i * 16 + j) * L, L)] = zeros
            return c

        lax.fori_loop(0, B1 // (16 * L), z1, 0)

        U2 = 5
        def p2(i, c):
            for j in range(U2):
                x = row_v[pl.ds((i * U2 + j) * L, L)]
                u = m - x
                e = jnp.exp(x - m)
                b = jnp.minimum(u * S1, float(B1 - 1)).astype(jnp.int32)
                plsc.addupdate_scatter(h1_v, [b], e)
            return c

        lax.fori_loop(0, NV // U2, p2, 0)

        def p3a(i, accs):
            a = list(accs)
            for j in range(8):
                a[j % 4] = a[j % 4] + h1_v[pl.ds((i * 8 + j) * L, L)]
            return tuple(a)

        s0, s1_, s2_, s3 = lax.fori_loop(
            0, B1 // (8 * L), p3a, (zeros, zeros, zeros, zeros))
        target = TOP_P * _bf_sum((s0 + s1_) + (s2_ + s3))

        def p3b(i, carry):
            run, cnt, mb = carry
            h = h1_v[pl.ds(i * L, L)]
            c = plsc.cumsum(h) + run
            lt = c < target
            cnt = cnt + jnp.where(lt, iones, izeros)
            mb = mb + jnp.where(lt, h, zeros)
            return run + _bf_sum(h), cnt, mb

        _, cntv, mbv = lax.fori_loop(0, B1 // L, p3b, (zeros, izeros, zeros))
        bstar = jnp.minimum(_bf_sum(cntv), B1 - 1)
        mass_before = _bf_sum(mbv)
        u1 = bstar.astype(jnp.float32) * (1.0 / S1)

        def z2(i, c):
            for j in range(16):
                h2_v[pl.ds((i * 16 + j) * L, L)] = zeros
            return c

        lax.fori_loop(0, B2 // (16 * L), z2, 0)

        U4 = 5
        def p4(i, c):
            for j in range(U4):
                x = row_v[pl.ds((i * U4 + j) * L, L)]
                u = m - x
                e = jnp.exp(x - m)
                b = jnp.minimum(u * S1, float(B1 - 1)).astype(jnp.int32)
                msk = b == bstar
                b2f = jnp.clip((u - u1) * S2, 0.0, float(B2 - 1))
                plsc.addupdate_scatter(h2_v, [b2f.astype(jnp.int32)], e, mask=msk)
            return c

        lax.fori_loop(0, NV // U4, p4, 0)
        target2 = target - mass_before

        def p5(i, carry):
            run, cnt, sin = carry
            h = h2_v[pl.ds(i * L, L)]
            c = plsc.cumsum(h) + run
            cnt = cnt + jnp.where(c < target2, iones, izeros)
            sin = sin + jnp.where((c - h) < target2, h, zeros)
            return run + _bf_sum(h), cnt, sin

        _, cnt2v, sinv = lax.fori_loop(0, B2 // L, p5, (zeros, izeros, zeros))
        b2star = _bf_sum(cnt2v)
        u_cut = u1 + (b2star + 1).astype(jnp.float32) * (1.0 / S2)
        inv_s = ones / (zeros + (mass_before + _bf_sum(sinv)))

        U6 = 10
        def p6(i, c):
            for j in range(U6):
                sl = pl.ds((i * U6 + j) * L, L)
                x = row_v[sl]
                u = m - x
                e = jnp.exp(x - m)
                row_v[sl] = jnp.where(u < u_cut, e * inv_s, zeros)
            return c

        lax.fori_loop(0, NV // U6, p6, 0)
        pltpu.sync_copy(row_v, out_hbm.at[row])
        return _carry

    lax.fori_loop(0, ROWS_PER, per_row, 0)


@jax.jit
def _nucleus_sc(logits):
    mesh = plsc.VectorSubcoreMesh(core_axis_name="c", subcore_axis_name="s")
    f = functools.partial(
        pl.kernel,
        mesh=mesh,
        out_type=jax.ShapeDtypeStruct((N_ROWS, N_VOCAB), jnp.float32),
        scratch_types=[
            pltpu.VMEM((N_VOCAB,), jnp.float32),
            pltpu.VMEM((B1,), jnp.float32),
            pltpu.VMEM((B2,), jnp.float32),
        ],
        compiler_params=pltpu.CompilerParams(needs_layout_passes=False),
    )(_nucleus_body)
    return f(logits)


def kernel(logits):
    return _nucleus_sc(logits)

# --- scband reference (transcript-rebuilt; emitter-appended) ---
"""Pipeline reference for scband-lm-85641647882407 (READ-ONLY COPY).

The authoritative reference and input builder live on the scoring server;
editing this copy changes nothing except your own understanding.
"""

import jax, jax.numpy as jnp
import numpy as np

NUCLEUS = 0.95
TEMPERATURE = 1.0


def setup_inputs(seed: int = 0) -> dict:
    key = jax.random.key(seed)
    logits = jax.random.normal(key, (128, 100000), dtype=jnp.float32)
    return {"logits": logits}


def reference(logits):
    # Batched, faithful translation of nucleus_threshold + filter_to_candidate_tokens
    # + the temperature-softmax step of choose_output_index, applied per row.
    n = logits.shape[-1]
    # sorted_vals = torch.sort(vec, descending=True).values
    sorted_vals = -jnp.sort(-logits, axis=-1)
    # increasing_sum = Softmax(sorted_vals).cumsum(-1)
    increasing_sum = jnp.cumsum(jax.nn.softmax(sorted_vals, axis=-1), axis=-1)
    # nucleus_start_point = where(increasing_sum >= nucleus, arange(n), n).min()
    idxs = jnp.arange(n, dtype=jnp.int32)
    start = jnp.min(jnp.where(increasing_sum >= NUCLEUS, idxs[None, :], n), axis=-1)
    start = jnp.minimum(start, n - 1)
    # nucleus_threshold = sorted_vals[nucleus_start_point]
    thresh = jnp.take_along_axis(sorted_vals, start[:, None], axis=-1)
    # e = where(e >= thresh, e, -inf)
    filtered = jnp.where(logits >= thresh, logits, -jnp.inf)
    # s = Softmax(e / temperature)
    probs = jax.nn.softmax(filtered / TEMPERATURE, axis=-1)
    return probs

if __name__ == "__main__":
    import jax
    _d = setup_inputs()
    print(jax.jit(kernel)(*tuple(_d.values())))

</pallas_src>

<mosaic_0001>
#map = affine_map<(d0, d1) -> (0, 0)>
module attributes {stable_mosaic.version = 14 : i64} {
  func.func @_nucleus_body(%arg0: i32, %arg1: i32, %arg2: memref<128x100000xf32, #tpu.memory_space<hbm>>, %arg3: memref<128x100000xf32, #tpu.memory_space<hbm>>, %arg4: memref<100000xf32, #tpu.memory_space<vmem>>, %arg5: memref<4096xf32, #tpu.memory_space<vmem>>, %arg6: memref<1024xf32, #tpu.memory_space<vmem>>) attributes {dimension_semantics = [#tpu.dimension_semantics<core_parallel>, #tpu.dimension_semantics<subcore_parallel>], iteration_bounds = array<i64: 2, 16>, scalar_prefetch = 0 : i64, scratch_operands = 3 : i64, tpu.core_type = #tpu.core_type<sc_vector_subcore>, window_params = [{transform_indices = #map}, {transform_indices = #map}]} {
    %mul3A = arith.constant 2 : i32
    %mul3A_0 = arith.muli %arg1, %mul3A : i32
    %add3A = arith.addi %mul3A_0, %arg0 : i32
    %broadcast_in_dim3A = arith.constant 0.000000e+00 : f32
    %broadcast_in_dim3A_1 = vector.broadcast %broadcast_in_dim3A : f32 to vector<16xf32>
    %broadcast_in_dim3A_2 = arith.constant 1.000000e+00 : f32
    %broadcast_in_dim3A_3 = vector.broadcast %broadcast_in_dim3A_2 : f32 to vector<16xf32>
    %broadcast_in_dim3A_4 = arith.constant 0 : i32
    %broadcast_in_dim3A_5 = vector.broadcast %broadcast_in_dim3A_4 : i32 to vector<16xi32>
    %broadcast_in_dim3A_6 = arith.constant 1 : i32
    %broadcast_in_dim3A_7 = vector.broadcast %broadcast_in_dim3A_6 : i32 to vector<16xi32>
    %scan3A = arith.constant 0 : i32
    %scan3A_8 = arith.constant 0 : i32
    %scan3A_9 = arith.constant 4 : i32
    %scan3A_10 = arith.addi %scan3A_8, %scan3A_9 : i32
    %scan3A_11 = arith.constant 1 : i32
    scf.for %scan3A_13 = %scan3A_8 to %scan3A_10 step %scan3A_11  : i32 {
      %mul3A_14 = arith.constant 4 : i32
      %mul3A_15 = arith.muli %add3A, %mul3A_14 : i32
      %add3A_16 = arith.addi %mul3A_15, %scan3A_13 : i32
      "tpu.region"() ({
        %run_scoped3A = tpu.sem_alloc : memref<!tpu.dma_semaphore, #tpu.memory_space<semaphore_mem>>
        %dma_start3A = arith.constant 0 : i32
        %dma_start3A_433 = tpu.memref_slice %arg2[%add3A_16, %dma_start3A] : memref<128x100000xf32, #tpu.memory_space<hbm>> -> memref<1x100000xf32, #tpu.memory_space<hbm>>
        %dma_start3A_434 = tpu.memref_squeeze %dma_start3A_433 : memref<1x100000xf32, #tpu.memory_space<hbm>> -> memref<100000xf32, #tpu.memory_space<hbm>>
        %dma_start3A_435 = arith.constant 0 : i32
        %dma_start3A_436 = tpu.memref_slice %arg2[%add3A_16, %dma_start3A_435] : memref<128x100000xf32, #tpu.memory_space<hbm>> -> memref<1x100000xf32, #tpu.memory_space<hbm>>
        %dma_start3A_437 = tpu.memref_squeeze %dma_start3A_436 : memref<1x100000xf32, #tpu.memory_space<hbm>> -> memref<100000xf32, #tpu.memory_space<hbm>>
        tpu.enqueue_dma source(%dma_start3A_437 : memref<100000xf32, #tpu.memory_space<hbm>>) target(%arg4 : memref<100000xf32, #tpu.memory_space<vmem>>) target_semaphore(%run_scoped3A : memref<!tpu.dma_semaphore, #tpu.memory_space<semaphore_mem>>)
        %dma_wait3A = arith.constant 0 : i32
        %dma_wait3A_438 = tpu.memref_slice %arg2[%add3A_16, %dma_wait3A] : memref<128x100000xf32, #tpu.memory_space<hbm>> -> memref<1x100000xf32, #tpu.memory_space<hbm>>
        %dma_wait3A_439 = tpu.memref_squeeze %dma_wait3A_438 : memref<1x100000xf32, #tpu.memory_space<hbm>> -> memref<100000xf32, #tpu.memory_space<hbm>>
        %dma_wait3A_440 = arith.constant 0 : i32
        %dma_wait3A_441 = tpu.memref_slice %arg2[%add3A_16, %dma_wait3A_440] : memref<128x100000xf32, #tpu.memory_space<hbm>> -> memref<1x100000xf32, #tpu.memory_space<hbm>>
        %dma_wait3A_442 = tpu.memref_squeeze %dma_wait3A_441 : memref<1x100000xf32, #tpu.memory_space<hbm>> -> memref<100000xf32, #tpu.memory_space<hbm>>
        tpu.wait_dma2 semaphore(%run_scoped3A : memref<!tpu.dma_semaphore, #tpu.memory_space<semaphore_mem>>) src(%dma_wait3A_442 : memref<100000xf32, #tpu.memory_space<hbm>>) dst(%arg4 : memref<100000xf32, #tpu.memory_space<vmem>>)
        tpu.yield
      }) : () -> ()
      %broadcast_in_dim3A_17 = arith.constant 0xFF800000 : f32
      %broadcast_in_dim3A_18 = vector.broadcast %broadcast_in_dim3A_17 : f32 to vector<16xf32>
      %scan3A_19 = arith.constant 0 : i32
      %scan3A_20 = arith.constant 625 : i32
      %scan3A_21 = arith.addi %scan3A_19, %scan3A_20 : i32
      %scan3A_22 = arith.constant 1 : i32
      %scan3A_23:4 = scf.for %scan3A_433 = %scan3A_19 to %scan3A_21 step %scan3A_22 iter_args(%scan3A_434 = %broadcast_in_dim3A_18, %scan3A_435 = %broadcast_in_dim3A_18, %scan3A_436 = %broadcast_in_dim3A_18, %scan3A_437 = %broadcast_in_dim3A_18) -> (vector<16xf32>, vector<16xf32>, vector<16xf32>, vector<16xf32>)  : i32 {
        %mul3A_438 = arith.constant 10 : i32
        %mul3A_439 = arith.muli %scan3A_433, %mul3A_438 : i32
        %add3A_440 = arith.constant 0 : i32
        %add3A_441 = arith.addi %mul3A_439, %add3A_440 : i32
        %mul3A_442 = arith.constant 16 : i32
        %mul3A_443 = arith.muli %add3A_441, %mul3A_442 : i32
        %get3A = arith.index_cast %mul3A_443 : i32 to index
        %get3A_444 = tpu.vector_load %arg4[%get3A] {strides = array<i32>} : memref<100000xf32, #tpu.memory_space<vmem>>, vector<16xf32>,
        %max3A_445 = arith.maximumf %scan3A_434, %get3A_444 : vector<16xf32>
        %mul3A_446 = arith.constant 10 : i32
        %mul3A_447 = arith.muli %scan3A_433, %mul3A_446 : i32
        %add3A_448 = arith.constant 1 : i32
        %add3A_449 = arith.addi %mul3A_447, %add3A_448 : i32
        %mul3A_450 = arith.constant 16 : i32
        %mul3A_451 = arith.muli %add3A_449, %mul3A_450 : i32
        %get3A_452 = arith.index_cast %mul3A_451 : i32 to index
        %get3A_453 = tpu.vector_load %arg4[%get3A_452] {strides = array<i32>} : memref<100000xf32, #tpu.memory_space<vmem>>, vector<16xf32>,
        %max3A_454 = arith.maximumf %scan3A_435, %get3A_453 : vector<16xf32>
        %mul3A_455 = arith.constant 10 : i32
        %mul3A_456 = arith.muli %scan3A_433, %mul3A_455 : i32
        %add3A_457 = arith.constant 2 : i32
        %add3A_458 = arith.addi %mul3A_456, %add3A_457 : i32
        %mul3A_459 = arith.constant 16 : i32
        %mul3A_460 = arith.muli %add3A_458, %mul3A_459 : i32
        %get3A_461 = arith.index_cast %mul3A_460 : i32 to index
        %get3A_462 = tpu.vector_load %arg4[%get3A_461] {strides = array<i32>} : memref<100000xf32, #tpu.memory_space<vmem>>, vector<16xf32>,
        %max3A_463 = arith.maximumf %scan3A_436, %get3A_462 : vector<16xf32>
        %mul3A_464 = arith.constant 10 : i32
        %mul3A_465 = arith.muli %scan3A_433, %mul3A_464 : i32
        %add3A_466 = arith.constant 3 : i32
        %add3A_467 = arith.addi %mul3A_465, %add3A_466 : i32
        %mul3A_468 = arith.constant 16 : i32
        %mul3A_469 = arith.muli %add3A_467, %mul3A_468 : i32
        %get3A_470 = arith.index_cast %mul3A_469 : i32 to index
        %get3A_471 = tpu.vector_load %arg4[%get3A_470] {strides = array<i32>} : memref<100000xf32, #tpu.memory_space<vmem>>, vector<16xf32>,
        %max3A_472 = arith.maximumf %scan3A_437, %get3A_471 : vector<16xf32>
        %mul3A_473 = arith.constant 10 : i32
        %mul3A_474 = arith.muli %scan3A_433, %mul3A_473 : i32
        %add3A_475 = arith.constant 4 : i32
        %add3A_476 = arith.addi %mul3A_474, %add3A_475 : i32
        %mul3A_477 = arith.constant 16 : i32
        %mul3A_478 = arith.muli %add3A_476, %mul3A_477 : i32
        %get3A_479 = arith.index_cast %mul3A_478 : i32 to index
        %get3A_480 = tpu.vector_load %arg4[%get3A_479] {strides = array<i32>} : memref<100000xf32, #tpu.memory_space<vmem>>, vector<16xf32>,
        %max3A_481 = arith.maximumf %max3A_445, %get3A_480 : vector<16xf32>
        %mul3A_482 = arith.constant 10 : i32
        %mul3A_483 = arith.muli %scan3A_433, %mul3A_482 : i32
        %add3A_484 = arith.constant 5 : i32
        %add3A_485 = arith.addi %mul3A_483, %add3A_484 : i32
        %mul3A_486 = arith.constant 16 : i32
        %mul3A_487 = arith.muli %add3A_485, %mul3A_486 : i32
        %get3A_488 = arith.index_cast %mul3A_487 : i32 to index
        %get3A_489 = tpu.vector_load %arg4[%get3A_488] {strides = array<i32>} : memref<100000xf32, #tpu.memory_space<vmem>>, vector<16xf32>,
        %max3A_490 = arith.maximumf %max3A_454, %get3A_489 : vector<16xf32>
        %mul3A_491 = arith.constant 10 : i32
        %mul3A_492 = arith.muli %scan3A_433, %mul3A_491 : i32
        %add3A_493 = arith.constant 6 : i32
        %add3A_494 = arith.addi %mul3A_492, %add3A_493 : i32
        %mul3A_495 = arith.constant 16 : i32
        %mul3A_496 = arith.muli %add3A_494, %mul3A_495 : i32
        %get3A_497 = arith.index_cast %mul3A_496 : i32 to index
        %get3A_498 = tpu.vector_load %arg4[%get3A_497] {strides = array<i32>} : memref<100000xf32, #tpu.memory_space<vmem>>, vector<16xf32>,
        %max3A_499 = arith.maximumf %max3A_463, %get3A_498 : vector<16xf32>
        %mul3A_500 = arith.constant 10 : i32
        %mul3A_501 = arith.muli %scan3A_433, %mul3A_500 : i32
        %add3A_502 = arith.constant 7 : i32
        %add3A_503 = arith.addi %mul3A_501, %add3A_502 : i32
        %mul3A_504 = arith.constant 16 : i32
        %mul3A_505 = arith.muli %add3A_503, %mul3A_504 : i32
        %get3A_506 = arith.index_cast %mul3A_505 : i32 to index
        %get3A_507 = tpu.vector_load %arg4[%get3A_506] {strides = array<i32>} : memref<100000xf32, #tpu.memory_space<vmem>>, vector<16xf32>,
        %max3A_508 = arith.maximumf %max3A_472, %get3A_507 : vector<16xf32>
        %mul3A_509 = arith.constant 10 : i32
        %mul3A_510 = arith.muli %scan3A_433, %mul3A_509 : i32
        %add3A_511 = arith.constant 8 : i32
        %add3A_512 = arith.addi %mul3A_510, %add3A_511 : i32
        %mul3A_513 = arith.constant 16 : i32
        %mul3A_514 = arith.muli %add3A_512, %mul3A_513 : i32
        %get3A_515 = arith.index_cast %mul3A_514 : i32 to index
        %get3A_516 = tpu.vector_load %arg4[%get3A_515] {strides = array<i32>} : memref<100000xf32, #tpu.memory_space<vmem>>, vector<16xf32>,
        %max3A_517 = arith.maximumf %max3A_481, %get3A_516 : vector<16xf32>
        %mul3A_518 = arith.constant 10 : i32
        %mul3A_519 = arith.muli %scan3A_433, %mul3A_518 : i32
        %add3A_520 = arith.constant 9 : i32
        %add3A_521 = arith.addi %mul3A_519, %add3A_520 : i32
        %mul3A_522 = arith.constant 16 : i32
        %mul3A_523 = arith.muli %add3A_521, %mul3A_522 : i32
        %get3A_524 = arith.index_cast %mul3A_523 : i32 to index
        %get3A_525 = tpu.vector_load %arg4[%get3A_524] {strides = array<i32>} : memref<100000xf32, #tpu.memory_space<vmem>>, vector<16xf32>,
        %max3A_526 = arith.maximumf %max3A_490, %get3A_525 : vector<16xf32>
        scf.yield %max3A_517, %max3A_526, %max3A_499, %max3A_508 : vector<16xf32>, vector<16xf32>, vector<16xf32>, vector<16xf32>
      }
      %scan3A_24 = arith.constant 625 : i32
      %max3A = arith.maximumf %scan3A_23#0, %scan3A_23#1 : vector<16xf32>
      %max3A_25 = arith.maximumf %scan3A_23#2, %scan3A_23#3 : vector<16xf32>
      %max3A_26 = arith.maximumf %max3A, %max3A_25 : vector<16xf32>
      %iota3A = tpu.iota {dimensions = array<i32: 0>} : vector<16xi32>
      %xor3A = arith.constant 8 : i32
      %xor3A_27 = vector.broadcast %xor3A : i32 to vector<16xi32>
      %xor3A_28 = arith.xori %iota3A, %xor3A_27 : vector<16xi32>
      %lt3A = arith.constant 0 : i32
      %lt3A_29 = vector.broadcast %lt3A : i32 to vector<16xi32>
      %lt3A_30 = arith.cmpi slt, %xor3A_28, %lt3A_29 : vector<16xi32>
      %add3A_31 = arith.constant 16 : i32
      %add3A_32 = vector.broadcast %add3A_31 : i32 to vector<16xi32>
      %add3A_33 = arith.addi %xor3A_28, %add3A_32 : vector<16xi32>
      %select_n3A = arith.select %lt3A_30, %add3A_33, %xor3A_28 : vector<16xi1>, vector<16xi32>
      %broadcast_in_dim3A_34 = vector.shape_cast %select_n3A : vector<16xi32> to vector<16x1xi32>
      %gather3A = vector.shape_cast %broadcast_in_dim3A_34 : vector<16x1xi32> to vector<16xi32>
      %gather3A_35 = tpu.dynamic_gather %max3A_26[%gather3A] in [0] : vector<16xf32>, vector<16xi32> -> vector<16xf32>
      %max3A_36 = arith.maximumf %max3A_26, %gather3A_35 : vector<16xf32>
      %xor3A_37 = arith.constant 4 : i32
      %xor3A_38 = vector.broadcast %xor3A_37 : i32 to vector<16xi32>
      %xor3A_39 = arith.xori %iota3A, %xor3A_38 : vector<16xi32>
      %lt3A_40 = arith.constant 0 : i32
      %lt3A_41 = vector.broadcast %lt3A_40 : i32 to vector<16xi32>
      %lt3A_42 = arith.cmpi slt, %xor3A_39, %lt3A_41 : vector<16xi32>
      %add3A_43 = arith.constant 16 : i32
      %add3A_44 = vector.broadcast %add3A_43 : i32 to vector<16xi32>
      %add3A_45 = arith.addi %xor3A_39, %add3A_44 : vector<16xi32>
      %select_n3A_46 = arith.select %lt3A_42, %add3A_45, %xor3A_39 : vector<16xi1>, vector<16xi32>
      %broadcast_in_dim3A_47 = vector.shape_cast %select_n3A_46 : vector<16xi32> to vector<16x1xi32>
      %gather3A_48 = vector.shape_cast %broadcast_in_dim3A_47 : vector<16x1xi32> to vector<16xi32>
      %gather3A_49 = tpu.dynamic_gather %max3A_36[%gather3A_48] in [0] : vector<16xf32>, vector<16xi32> -> vector<16xf32>
      %max3A_50 = arith.maximumf %max3A_36, %gather3A_49 : vector<16xf32>
      %xor3A_51 = arith.constant 2 : i32
      %xor3A_52 = vector.broadcast %xor3A_51 : i32 to vector<16xi32>
      %xor3A_53 = arith.xori %iota3A, %xor3A_52 : vector<16xi32>
      %lt3A_54 = arith.constant 0 : i32
      %lt3A_55 = vector.broadcast %lt3A_54 : i32 to vector<16xi32>
      %lt3A_56 = arith.cmpi slt, %xor3A_53, %lt3A_55 : vector<16xi32>
      %add3A_57 = arith.constant 16 : i32
      %add3A_58 = vector.broadcast %add3A_57 : i32 to vector<16xi32>
      %add3A_59 = arith.addi %xor3A_53, %add3A_58 : vector<16xi32>
      %select_n3A_60 = arith.select %lt3A_56, %add3A_59, %xor3A_53 : vector<16xi1>, vector<16xi32>
      %broadcast_in_dim3A_61 = vector.shape_cast %select_n3A_60 : vector<16xi32> to vector<16x1xi32>
      %gather3A_62 = vector.shape_cast %broadcast_in_dim3A_61 : vector<16x1xi32> to vector<16xi32>
      %gather3A_63 = tpu.dynamic_gather %max3A_50[%gather3A_62] in [0] : vector<16xf32>, vector<16xi32> -> vector<16xf32>
      %max3A_64 = arith.maximumf %max3A_50, %gather3A_63 : vector<16xf32>
      %xor3A_65 = arith.constant 1 : i32
      %xor3A_66 = vector.broadcast %xor3A_65 : i32 to vector<16xi32>
      %xor3A_67 = arith.xori %iota3A, %xor3A_66 : vector<16xi32>
      %lt3A_68 = arith.constant 0 : i32
      %lt3A_69 = vector.broadcast %lt3A_68 : i32 to vector<16xi32>
      %lt3A_70 = arith.cmpi slt, %xor3A_67, %lt3A_69 : vector<16xi32>
      %add3A_71 = arith.constant 16 : i32
      %add3A_72 = vector.broadcast %add3A_71 : i32 to vector<16xi32>
      %add3A_73 = arith.addi %xor3A_67, %add3A_72 : vector<16xi32>
      %select_n3A_74 = arith.select %lt3A_70, %add3A_73, %xor3A_67 : vector<16xi1>, vector<16xi32>
      %broadcast_in_dim3A_75 = vector.shape_cast %select_n3A_74 : vector<16xi32> to vector<16x1xi32>
      %gather3A_76 = vector.shape_cast %broadcast_in_dim3A_75 : vector<16x1xi32> to vector<16xi32>
      %gather3A_77 = tpu.dynamic_gather %max3A_64[%gather3A_76] in [0] : vector<16xf32>, vector<16xi32> -> vector<16xf32>
      %max3A_78 = arith.maximumf %max3A_64, %gather3A_77 : vector<16xf32>
      %scan3A_79 = arith.constant 0 : i32
      %scan3A_80 = arith.constant 0 : i32
      %scan3A_81 = arith.constant 16 : i32
      %scan3A_82 = arith.addi %scan3A_80, %scan3A_81 : i32
      %scan3A_83 = arith.constant 1 : i32
      scf.for %scan3A_433 = %scan3A_80 to %scan3A_82 step %scan3A_83  : i32 {
        %mul3A_434 = arith.constant 16 : i32
        %mul3A_435 = arith.muli %scan3A_433, %mul3A_434 : i32
        %add3A_436 = arith.constant 0 : i32
        %add3A_437 = arith.addi %mul3A_435, %add3A_436 : i32
        %mul3A_438 = arith.constant 16 : i32
        %mul3A_439 = arith.muli %add3A_437, %mul3A_438 : i32
        %swap3A = arith.index_cast %mul3A_439 : i32 to index
        %swap3A_440 = tpu.vector_load %arg5[%swap3A] {strides = array<i32>} : memref<4096xf32, #tpu.memory_space<vmem>>, vector<16xf32>,
        tpu.vector_store %arg5[%swap3A], %broadcast_in_dim3A_1 {strides = array<i32>} : memref<4096xf32, #tpu.memory_space<vmem>>, vector<16xf32>,
        %mul3A_441 = arith.constant 16 : i32
        %mul3A_442 = arith.muli %scan3A_433, %mul3A_441 : i32
        %add3A_443 = arith.constant 1 : i32
        %add3A_444 = arith.addi %mul3A_442, %add3A_443 : i32
        %mul3A_445 = arith.constant 16 : i32
        %mul3A_446 = arith.muli %add3A_444, %mul3A_445 : i32
        %swap3A_447 = arith.index_cast %mul3A_446 : i32 to index
        %swap3A_448 = tpu.vector_load %arg5[%swap3A_447] {strides = array<i32>} : memref<4096xf32, #tpu.memory_space<vmem>>, vector<16xf32>,
        tpu.vector_store %arg5[%swap3A_447], %broadcast_in_dim3A_1 {strides = array<i32>} : memref<4096xf32, #tpu.memory_space<vmem>>, vector<16xf32>,
        %mul3A_449 = arith.constant 16 : i32
        %mul3A_450 = arith.muli %scan3A_433, %mul3A_449 : i32
        %add3A_451 = arith.constant 2 : i32
        %add3A_452 = arith.addi %mul3A_450, %add3A_451 : i32
        %mul3A_453 = arith.constant 16 : i32
        %mul3A_454 = arith.muli %add3A_452, %mul3A_453 : i32
        %swap3A_455 = arith.index_cast %mul3A_454 : i32 to index
        %swap3A_456 = tpu.vector_load %arg5[%swap3A_455] {strides = array<i32>} : memref<4096xf32, #tpu.memory_space<vmem>>, vector<16xf32>,
        tpu.vector_store %arg5[%swap3A_455], %broadcast_in_dim3A_1 {strides = array<i32>} : memref<4096xf32, #tpu.memory_space<vmem>>, vector<16xf32>,
        %mul3A_457 = arith.constant 16 : i32
        %mul3A_458 = arith.muli %scan3A_433, %mul3A_457 : i32
        %add3A_459 = arith.constant 3 : i32
        %add3A_460 = arith.addi %mul3A_458, %add3A_459 : i32
        %mul3A_461 = arith.constant 16 : i32
        %mul3A_462 = arith.muli %add3A_460, %mul3A_461 : i32
        %swap3A_463 = arith.index_cast %mul3A_462 : i32 to index
        %swap3A_464 = tpu.vector_load %arg5[%swap3A_463] {strides = array<i32>} : memref<4096xf32, #tpu.memory_space<vmem>>, vector<16xf32>,
        tpu.vector_store %arg5[%swap3A_463], %broadcast_in_dim3A_1 {strides = array<i32>} : memref<4096xf32, #tpu.memory_space<vmem>>, vector<16xf32>,
        %mul3A_465 = arith.constant 16 : i32
        %mul3A_466 = arith.muli %scan3A_433, %mul3A_465 : i32
        %add3A_467 = arith.constant 4 : i32
        %add3A_468 = arith.addi %mul3A_466, %add3A_467 : i32
        %mul3A_469 = arith.constant 16 : i32
        %mul3A_470 = arith.muli %add3A_468, %mul3A_469 : i32
        %swap3A_471 = arith.index_cast %mul3A_470 : i32 to index
        %swap3A_472 = tpu.vector_load %arg5[%swap3A_471] {strides = array<i32>} : memref<4096xf32, #tpu.memory_space<vmem>>, vector<16xf32>,
        tpu.vector_store %arg5[%swap3A_471], %broadcast_in_dim3A_1 {strides = array<i32>} : memref<4096xf32, #tpu.memory_space<vmem>>, vector<16xf32>,
        %mul3A_473 = arith.constant 16 : i32
        %mul3A_474 = arith.muli %scan3A_433, %mul3A_473 : i32
        %add3A_475 = arith.constant 5 : i32
        %add3A_476 = arith.addi %mul3A_474, %add3A_475 : i32
        %mul3A_477 = arith.constant 16 : i32
        %mul3A_478 = arith.muli %add3A_476, %mul3A_477 : i32
        %swap3A_479 = arith.index_cast %mul3A_478 : i32 to index
        %swap3A_480 = tpu.vector_load %arg5[%swap3A_479] {strides = array<i32>} : memref<4096xf32, #tpu.memory_space<vmem>>, vector<16xf32>,
        tpu.vector_store %arg5[%swap3A_479], %broadcast_in_dim3A_1 {strides = array<i32>} : memref<4096xf32, #tpu.memory_space<vmem>>, vector<16xf32>,
        %mul3A_481 = arith.constant 16 : i32
        %mul3A_482 = arith.muli %scan3A_433, %mul3A_481 : i32
        %add3A_483 = arith.constant 6 : i32
        %add3A_484 = arith.addi %mul3A_482, %add3A_483 : i32
        %mul3A_485 = arith.constant 16 : i32
        %mul3A_486 = arith.muli %add3A_484, %mul3A_485 : i32
        %swap3A_487 = arith.index_cast %mul3A_486 : i32 to index
        %swap3A_488 = tpu.vector_load %arg5[%swap3A_487] {strides = array<i32>} : memref<4096xf32, #tpu.memory_space<vmem>>, vector<16xf32>,
        tpu.vector_store %arg5[%swap3A_487], %broadcast_in_dim3A_1 {strides = array<i32>} : memref<4096xf32, #tpu.memory_space<vmem>>, vector<16xf32>,
        %mul3A_489 = arith.constant 16 : i32
        %mul3A_490 = arith.muli %scan3A_433, %mul3A_489 : i32
        %add3A_491 = arith.constant 7 : i32
        %add3A_492 = arith.addi %mul3A_490, %add3A_491 : i32
        %mul3A_493 = arith.constant 16 : i32
        %mul3A_494 = arith.muli %add3A_492, %mul3A_493 : i32
        %swap3A_495 = arith.index_cast %mul3A_494 : i32 to index
        %swap3A_496 = tpu.vector_load %arg5[%swap3A_495] {strides = array<i32>} : memref<4096xf32, #tpu.memory_space<vmem>>, vector<16xf32>,
        tpu.vector_store %arg5[%swap3A_495], %broadcast_in_dim3A_1 {strides = array<i32>} : memref<4096xf32, #tpu.memory_space<vmem>>, vector<16xf32>,
        %mul3A_497 = arith.constant 16 : i32
        %mul3A_498 = arith.muli %scan3A_433, %mul3A_497 : i32
        %add3A_499 = arith.constant 8 : i32
        %add3A_500 = arith.addi %mul3A_498, %add3A_499 : i32
        %mul3A_501 = arith.constant 16 : i32
        %mul3A_502 = arith.muli %add3A_500, %mul3A_501 : i32
        %swap3A_503 = arith.index_cast %mul3A_502 : i32 to index
        %swap3A_504 = tpu.vector_load %arg5[%swap3A_503] {strides = array<i32>} : memref<4096xf32, #tpu.memory_space<vmem>>, vector<16xf32>,
        tpu.vector_store %arg5[%swap3A_503], %broadcast_in_dim3A_1 {strides = array<i32>} : memref<4096xf32, #tpu.memory_space<vmem>>, vector<16xf32>,
        %mul3A_505 = arith.constant 16 : i32
        %mul3A_506 = arith.muli %scan3A_433, %mul3A_505 : i32
        %add3A_507 = arith.constant 9 : i32
        %add3A_508 = arith.addi %mul3A_506, %add3A_507 : i32
        %mul3A_509 = arith.constant 16 : i32
        %mul3A_510 = arith.muli %add3A_508, %mul3A_509 : i32
        %swap3A_511 = arith.index_cast %mul3A_510 : i32 to index
        %swap3A_512 = tpu.vector_load %arg5[%swap3A_511] {strides = array<i32>} : memref<4096xf32, #tpu.memory_space<vmem>>, vector<16xf32>,
        tpu.vector_store %arg5[%swap3A_511], %broadcast_in_dim3A_1 {strides = array<i32>} : memref<4096xf32, #tpu.memory_space<vmem>>, vector<16xf32>,
        %mul3A_513 = arith.constant 16 : i32
        %mul3A_514 = arith.muli %scan3A_433, %mul3A_513 : i32
        %add3A_515 = arith.constant 10 : i32
        %add3A_516 = arith.addi %mul3A_514, %add3A_515 : i32
        %mul3A_517 = arith.constant 16 : i32
        %mul3A_518 = arith.muli %add3A_516, %mul3A_517 : i32
        %swap3A_519 = arith.index_cast %mul3A_518 : i32 to index
        %swap3A_520 = tpu.vector_load %arg5[%swap3A_519] {strides = array<i32>} : memref<4096xf32, #tpu.memory_space<vmem>>, vector<16xf32>,
        tpu.vector_store %arg5[%swap3A_519], %broadcast_in_dim3A_1 {strides = array<i32>} : memref<4096xf32, #tpu.memory_space<vmem>>, vector<16xf32>,
        %mul3A_521 = arith.constant 16 : i32
        %mul3A_522 = arith.muli %scan3A_433, %mul3A_521 : i32
        %add3A_523 = arith.constant 11 : i32
        %add3A_524 = arith.addi %mul3A_522, %add3A_523 : i32
        %mul3A_525 = arith.constant 16 : i32
        %mul3A_526 = arith.muli %add3A_524, %mul3A_525 : i32
        %swap3A_527 = arith.index_cast %mul3A_526 : i32 to index
        %swap3A_528 = tpu.vector_load %arg5[%swap3A_527] {strides = array<i32>} : memref<4096xf32, #tpu.memory_space<vmem>>, vector<16xf32>,
        tpu.vector_store %arg5[%swap3A_527], %broadcast_in_dim3A_1 {strides = array<i32>} : memref<4096xf32, #tpu.memory_space<vmem>>, vector<16xf32>,
        %mul3A_529 = arith.constant 16 : i32
        %mul3A_530 = arith.muli %scan3A_433, %mul3A_529 : i32
        %add3A_531 = arith.constant 12 : i32
        %add3A_532 = arith.addi %mul3A_530, %add3A_531 : i32
        %mul3A_533 = arith.constant 16 : i32
        %mul3A_534 = arith.muli %add3A_532, %mul3A_533 : i32
        %swap3A_535 = arith.index_cast %mul3A_534 : i32 to index
        %swap3A_536 = tpu.vector_load %arg5[%swap3A_535] {strides = array<i32>} : memref<4096xf32, #tpu.memory_space<vmem>>, vector<16xf32>,
        tpu.vector_store %arg5[%swap3A_535], %broadcast_in_dim3A_1 {strides = array<i32>} : memref<4096xf32, #tpu.memory_space<vmem>>, vector<16xf32>,
        %mul3A_537 = arith.constant 16 : i32
        %mul3A_538 = arith.muli %scan3A_433, %mul3A_537 : i32
        %add3A_539 = arith.constant 13 : i32
        %add3A_540 = arith.addi %mul3A_538, %add3A_539 : i32
        %mul3A_541 = arith.constant 16 : i32
        %mul3A_542 = arith.muli %add3A_540, %mul3A_541 : i32
        %swap3A_543 = arith.index_cast %mul3A_542 : i32 to index
        %swap3A_544 = tpu.vector_load %arg5[%swap3A_543] {strides = array<i32>} : memref<4096xf32, #tpu.memory_space<vmem>>, vector<16xf32>,
        tpu.vector_store %arg5[%swap3A_543], %broadcast_in_dim3A_1 {strides = array<i32>} : memref<4096xf32, #tpu.memory_space<vmem>>, vector<16xf32>,
        %mul3A_545 = arith.constant 16 : i32
        %mul3A_546 = arith.muli %scan3A_433, %mul3A_545 : i32
        %add3A_547 = arith.constant 14 : i32
        %add3A_548 = arith.addi %mul3A_546, %add3A_547 : i32
        %mul3A_549 = arith.constant 16 : i32
        %mul3A_550 = arith.muli %add3A_548, %mul3A_549 : i32
        %swap3A_551 = arith.index_cast %mul3A_550 : i32 to index
        %swap3A_552 = tpu.vector_load %arg5[%swap3A_551] {strides = array<i32>} : memref<4096xf32, #tpu.memory_space<vmem>>, vector<16xf32>,
        tpu.vector_store %arg5[%swap3A_551], %broadcast_in_dim3A_1 {strides = array<i32>} : memref<4096xf32, #tpu.memory_space<vmem>>, vector<16xf32>,
        %mul3A_553 = arith.constant 16 : i32
        %mul3A_554 = arith.muli %scan3A_433, %mul3A_553 : i32
        %add3A_555 = arith.constant 15 : i32
        %add3A_556 = arith.addi %mul3A_554, %add3A_555 : i32
        %mul3A_557 = arith.constant 16 : i32
        %mul3A_558 = arith.muli %add3A_556, %mul3A_557 : i32
        %swap3A_559 = arith.index_cast %mul3A_558 : i32 to index
        %swap3A_560 = tpu.vector_load %arg5[%swap3A_559] {strides = array<i32>} : memref<4096xf32, #tpu.memory_space<vmem>>, vector<16xf32>,
        tpu.vector_store %arg5[%swap3A_559], %broadcast_in_dim3A_1 {strides = array<i32>} : memref<4096xf32, #tpu.memory_space<vmem>>, vector<16xf32>,
      }
      %scan3A_84 = arith.constant 16 : i32
      %scan3A_85 = arith.constant 0 : i32
      %scan3A_86 = arith.constant 0 : i32
      %scan3A_87 = arith.constant 1250 : i32
      %scan3A_88 = arith.addi %scan3A_86, %scan3A_87 : i32
      %scan3A_89 = arith.constant 1 : i32
      scf.for %scan3A_433 = %scan3A_86 to %scan3A_88 step %scan3A_89  : i32 {
        %mul3A_434 = arith.constant 5 : i32
        %mul3A_435 = arith.muli %scan3A_433, %mul3A_434 : i32
        %add3A_436 = arith.constant 0 : i32
        %add3A_437 = arith.addi %mul3A_435, %add3A_436 : i32
        %mul3A_438 = arith.constant 16 : i32
        %mul3A_439 = arith.muli %add3A_437, %mul3A_438 : i32
        %get3A = arith.index_cast %mul3A_439 : i32 to index
        %get3A_440 = tpu.vector_load %arg4[%get3A] {strides = array<i32>} : memref<100000xf32, #tpu.memory_space<vmem>>, vector<16xf32>,
        %sub3A_441 = arith.subf %max3A_78, %get3A_440 : vector<16xf32>
        %sub3A_442 = arith.subf %get3A_440, %max3A_78 : vector<16xf32>
        %exp3A = math.exp %sub3A_442 : vector<16xf32>
        %mul3A_443 = arith.constant 2.560000e+02 : f32
        %mul3A_444 = vector.broadcast %mul3A_443 : f32 to vector<16xf32>
        %mul3A_445 = arith.mulf %sub3A_441, %mul3A_444 : vector<16xf32>
        %min3A_446 = arith.constant 4.095000e+03 : f32
        %min3A_447 = vector.broadcast %min3A_446 : f32 to vector<16xf32>
        %min3A_448 = arith.minimumf %mul3A_445, %min3A_447 : vector<16xf32>
        %convert_element_type3A_449 = arith.fptosi %min3A_448 : vector<16xf32> to vector<16xi32>
        tpu.vector_store_idx %arg5[%convert_element_type3A_449], %exp3A {add = true} : memref<4096xf32, #tpu.memory_space<vmem>>[vector<16xi32>], vector<16xf32>,
        %mul3A_450 = arith.constant 5 : i32
        %mul3A_451 = arith.muli %scan3A_433, %mul3A_450 : i32
        %add3A_452 = arith.constant 1 : i32
        %add3A_453 = arith.addi %mul3A_451, %add3A_452 : i32
        %mul3A_454 = arith.constant 16 : i32
        %mul3A_455 = arith.muli %add3A_453, %mul3A_454 : i32
        %get3A_456 = arith.index_cast %mul3A_455 : i32 to index
        %get3A_457 = tpu.vector_load %arg4[%get3A_456] {strides = array<i32>} : memref<100000xf32, #tpu.memory_space<vmem>>, vector<16xf32>,
        %sub3A_458 = arith.subf %max3A_78, %get3A_457 : vector<16xf32>
        %sub3A_459 = arith.subf %get3A_457, %max3A_78 : vector<16xf32>
        %exp3A_460 = math.exp %sub3A_459 : vector<16xf32>
        %mul3A_461 = arith.constant 2.560000e+02 : f32
        %mul3A_462 = vector.broadcast %mul3A_461 : f32 to vector<16xf32>
        %mul3A_463 = arith.mulf %sub3A_458, %mul3A_462 : vector<16xf32>
        %min3A_464 = arith.constant 4.095000e+03 : f32
        %min3A_465 = vector.broadcast %min3A_464 : f32 to vector<16xf32>
        %min3A_466 = arith.minimumf %mul3A_463, %min3A_465 : vector<16xf32>
        %convert_element_type3A_467 = arith.fptosi %min3A_466 : vector<16xf32> to vector<16xi32>
        tpu.vector_store_idx %arg5[%convert_element_type3A_467], %exp3A_460 {add = true} : memref<4096xf32, #tpu.memory_space<vmem>>[vector<16xi32>], vector<16xf32>,
        %mul3A_468 = arith.constant 5 : i32
        %mul3A_469 = arith.muli %scan3A_433, %mul3A_468 : i32
        %add3A_470 = arith.constant 2 : i32
        %add3A_471 = arith.addi %mul3A_469, %add3A_470 : i32
        %mul3A_472 = arith.constant 16 : i32
        %mul3A_473 = arith.muli %add3A_471, %mul3A_472 : i32
        %get3A_474 = arith.index_cast %mul3A_473 : i32 to index
        %get3A_475 = tpu.vector_load %arg4[%get3A_474] {strides = array<i32>} : memref<100000xf32, #tpu.memory_space<vmem>>, vector<16xf32>,
        %sub3A_476 = arith.subf %max3A_78, %get3A_475 : vector<16xf32>
        %sub3A_477 = arith.subf %get3A_475, %max3A_78 : vector<16xf32>
        %exp3A_478 = math.exp %sub3A_477 : vector<16xf32>
        %mul3A_479 = arith.constant 2.560000e+02 : f32
        %mul3A_480 = vector.broadcast %mul3A_479 : f32 to vector<16xf32>
        %mul3A_481 = arith.mulf %sub3A_476, %mul3A_480 : vector<16xf32>
        %min3A_482 = arith.constant 4.095000e+03 : f32
        %min3A_483 = vector.broadcast %min3A_482 : f32 to vector<16xf32>
        %min3A_484 = arith.minimumf %mul3A_481, %min3A_483 : vector<16xf32>
        %convert_element_type3A_485 = arith.fptosi %min3A_484 : vector<16xf32> to vector<16xi32>
        tpu.vector_store_idx %arg5[%convert_element_type3A_485], %exp3A_478 {add = true} : memref<4096xf32, #tpu.memory_space<vmem>>[vector<16xi32>], vector<16xf32>,
        %mul3A_486 = arith.constant 5 : i32
        %mul3A_487 = arith.muli %scan3A_433, %mul3A_486 : i32
        %add3A_488 = arith.constant 3 : i32
        %add3A_489 = arith.addi %mul3A_487, %add3A_488 : i32
        %mul3A_490 = arith.constant 16 : i32
        %mul3A_491 = arith.muli %add3A_489, %mul3A_490 : i32
        %get3A_492 = arith.index_cast %mul3A_491 : i32 to index
        %get3A_493 = tpu.vector_load %arg4[%get3A_492] {strides = array<i32>} : memref<100000xf32, #tpu.memory_space<vmem>>, vector<16xf32>,
        %sub3A_494 = arith.subf %max3A_78, %get3A_493 : vector<16xf32>
        %sub3A_495 = arith.subf %get3A_493, %max3A_78 : vector<16xf32>
        %exp3A_496 = math.exp %sub3A_495 : vector<16xf32>
        %mul3A_497 = arith.constant 2.560000e+02 : f32
        %mul3A_498 = vector.broadcast %mul3A_497 : f32 to vector<16xf32>
        %mul3A_499 = arith.mulf %sub3A_494, %mul3A_498 : vector<16xf32>
        %min3A_500 = arith.constant 4.095000e+03 : f32
        %min3A_501 = vector.broadcast %min3A_500 : f32 to vector<16xf32>
        %min3A_502 = arith.minimumf %mul3A_499, %min3A_501 : vector<16xf32>
        %convert_element_type3A_503 = arith.fptosi %min3A_502 : vector<16xf32> to vector<16xi32>
        tpu.vector_store_idx %arg5[%convert_element_type3A_503], %exp3A_496 {add = true} : memref<4096xf32, #tpu.memory_space<vmem>>[vector<16xi32>], vector<16xf32>,
        %mul3A_504 = arith.constant 5 : i32
        %mul3A_505 = arith.muli %scan3A_433, %mul3A_504 : i32
        %add3A_506 = arith.constant 4 : i32
        %add3A_507 = arith.addi %mul3A_505, %add3A_506 : i32
        %mul3A_508 = arith.constant 16 : i32
        %mul3A_509 = arith.muli %add3A_507, %mul3A_508 : i32
        %get3A_510 = arith.index_cast %mul3A_509 : i32 to index
        %get3A_511 = tpu.vector_load %arg4[%get3A_510] {strides = array<i32>} : memref<100000xf32, #tpu.memory_space<vmem>>, vector<16xf32>,
        %sub3A_512 = arith.subf %max3A_78, %get3A_511 : vector<16xf32>
        %sub3A_513 = arith.subf %get3A_511, %max3A_78 : vector<16xf32>
        %exp3A_514 = math.exp %sub3A_513 : vector<16xf32>
        %mul3A_515 = arith.constant 2.560000e+02 : f32
        %mul3A_516 = vector.broadcast %mul3A_515 : f32 to vector<16xf32>
        %mul3A_517 = arith.mulf %sub3A_512, %mul3A_516 : vector<16xf32>
        %min3A_518 = arith.constant 4.095000e+03 : f32
        %min3A_519 = vector.broadcast %min3A_518 : f32 to vector<16xf32>
        %min3A_520 = arith.minimumf %mul3A_517, %min3A_519 : vector<16xf32>
        %convert_element_type3A_521 = arith.fptosi %min3A_520 : vector<16xf32> to vector<16xi32>
        tpu.vector_store_idx %arg5[%convert_element_type3A_521], %exp3A_514 {add = true} : memref<4096xf32, #tpu.memory_space<vmem>>[vector<16xi32>], vector<16xf32>,
      }
      %scan3A_90 = arith.constant 1250 : i32
      %scan3A_91 = arith.constant 0 : i32
      %scan3A_92 = arith.constant 32 : i32
      %scan3A_93 = arith.addi %scan3A_91, %scan3A_92 : i32
      %scan3A_94 = arith.constant 1 : i32
      %scan3A_95:4 = scf.for %scan3A_433 = %scan3A_91 to %scan3A_93 step %scan3A_94 iter_args(%scan3A_434 = %broadcast_in_dim3A_1, %scan3A_435 = %broadcast_in_dim3A_1, %scan3A_436 = %broadcast_in_dim3A_1, %scan3A_437 = %broadcast_in_dim3A_1) -> (vector<16xf32>, vector<16xf32>, vector<16xf32>, vector<16xf32>)  : i32 {
        %mul3A_438 = arith.constant 8 : i32
        %mul3A_439 = arith.muli %scan3A_433, %mul3A_438 : i32
        %add3A_440 = arith.constant 0 : i32
        %add3A_441 = arith.addi %mul3A_439, %add3A_440 : i32
        %mul3A_442 = arith.constant 16 : i32
        %mul3A_443 = arith.muli %add3A_441, %mul3A_442 : i32
        %get3A = arith.index_cast %mul3A_443 : i32 to index
        %get3A_444 = tpu.vector_load %arg5[%get3A] {strides = array<i32>} : memref<4096xf32, #tpu.memory_space<vmem>>, vector<16xf32>,
        %add3A_445 = arith.addf %scan3A_434, %get3A_444 : vector<16xf32>
        %mul3A_446 = arith.constant 8 : i32
        %mul3A_447 = arith.muli %scan3A_433, %mul3A_446 : i32
        %add3A_448 = arith.constant 1 : i32
        %add3A_449 = arith.addi %mul3A_447, %add3A_448 : i32
        %mul3A_450 = arith.constant 16 : i32
        %mul3A_451 = arith.muli %add3A_449, %mul3A_450 : i32
        %get3A_452 = arith.index_cast %mul3A_451 : i32 to index
        %get3A_453 = tpu.vector_load %arg5[%get3A_452] {strides = array<i32>} : memref<4096xf32, #tpu.memory_space<vmem>>, vector<16xf32>,
        %add3A_454 = arith.addf %scan3A_435, %get3A_453 : vector<16xf32>
        %mul3A_455 = arith.constant 8 : i32
        %mul3A_456 = arith.muli %scan3A_433, %mul3A_455 : i32
        %add3A_457 = arith.constant 2 : i32
        %add3A_458 = arith.addi %mul3A_456, %add3A_457 : i32
        %mul3A_459 = arith.constant 16 : i32
        %mul3A_460 = arith.muli %add3A_458, %mul3A_459 : i32
        %get3A_461 = arith.index_cast %mul3A_460 : i32 to index
        %get3A_462 = tpu.vector_load %arg5[%get3A_461] {strides = array<i32>} : memref<4096xf32, #tpu.memory_space<vmem>>, vector<16xf32>,
        %add3A_463 = arith.addf %scan3A_436, %get3A_462 : vector<16xf32>
        %mul3A_464 = arith.constant 8 : i32
        %mul3A_465 = arith.muli %scan3A_433, %mul3A_464 : i32
        %add3A_466 = arith.constant 3 : i32
        %add3A_467 = arith.addi %mul3A_465, %add3A_466 : i32
        %mul3A_468 = arith.constant 16 : i32
        %mul3A_469 = arith.muli %add3A_467, %mul3A_468 : i32
        %get3A_470 = arith.index_cast %mul3A_469 : i32 to index
        %get3A_471 = tpu.vector_load %arg5[%get3A_470] {strides = array<i32>} : memref<4096xf32, #tpu.memory_space<vmem>>, vector<16xf32>,
        %add3A_472 = arith.addf %scan3A_437, %get3A_471 : vector<16xf32>
        %mul3A_473 = arith.constant 8 : i32
        %mul3A_474 = arith.muli %scan3A_433, %mul3A_473 : i32
        %add3A_475 = arith.constant 4 : i32
        %add3A_476 = arith.addi %mul3A_474, %add3A_475 : i32
        %mul3A_477 = arith.constant 16 : i32
        %mul3A_478 = arith.muli %add3A_476, %mul3A_477 : i32
        %get3A_479 = arith.index_cast %mul3A_478 : i32 to index
        %get3A_480 = tpu.vector_load %arg5[%get3A_479] {strides = array<i32>} : memref<4096xf32, #tpu.memory_space<vmem>>, vector<16xf32>,
        %add3A_481 = arith.addf %add3A_445, %get3A_480 : vector<16xf32>
        %mul3A_482 = arith.constant 8 : i32
        %mul3A_483 = arith.muli %scan3A_433, %mul3A_482 : i32
        %add3A_484 = arith.constant 5 : i32
        %add3A_485 = arith.addi %mul3A_483, %add3A_484 : i32
        %mul3A_486 = arith.constant 16 : i32
        %mul3A_487 = arith.muli %add3A_485, %mul3A_486 : i32
        %get3A_488 = arith.index_cast %mul3A_487 : i32 to index
        %get3A_489 = tpu.vector_load %arg5[%get3A_488] {strides = array<i32>} : memref<4096xf32, #tpu.memory_space<vmem>>, vector<16xf32>,
        %add3A_490 = arith.addf %add3A_454, %get3A_489 : vector<16xf32>
        %mul3A_491 = arith.constant 8 : i32
        %mul3A_492 = arith.muli %scan3A_433, %mul3A_491 : i32
        %add3A_493 = arith.constant 6 : i32
        %add3A_494 = arith.addi %mul3A_492, %add3A_493 : i32
        %mul3A_495 = arith.constant 16 : i32
        %mul3A_496 = arith.muli %add3A_494, %mul3A_495 : i32
        %get3A_497 = arith.index_cast %mul3A_496 : i32 to index
        %get3A_498 = tpu.vector_load %arg5[%get3A_497] {strides = array<i32>} : memref<4096xf32, #tpu.memory_space<vmem>>, vector<16xf32>,
        %add3A_499 = arith.addf %add3A_463, %get3A_498 : vector<16xf32>
        %mul3A_500 = arith.constant 8 : i32
        %mul3A_501 = arith.muli %scan3A_433, %mul3A_500 : i32
        %add3A_502 = arith.constant 7 : i32
        %add3A_503 = arith.addi %mul3A_501, %add3A_502 : i32
        %mul3A_504 = arith.constant 16 : i32
        %mul3A_505 = arith.muli %add3A_503, %mul3A_504 : i32
        %get3A_506 = arith.index_cast %mul3A_505 : i32 to index
        %get3A_507 = tpu.vector_load %arg5[%get3A_506] {strides = array<i32>} : memref<4096xf32, #tpu.memory_space<vmem>>, vector<16xf32>,
        %add3A_508 = arith.addf %add3A_472, %get3A_507 : vector<16xf32>
        scf.yield %add3A_481, %add3A_490, %add3A_499, %add3A_508 : vector<16xf32>, vector<16xf32>, vector<16xf32>, vector<16xf32>
      }
      %scan3A_96 = arith.constant 32 : i32
      %add3A_97 = arith.addf %scan3A_95#0, %scan3A_95#1 : vector<16xf32>
      %add3A_98 = arith.addf %scan3A_95#2, %scan3A_95#3 : vector<16xf32>
      %add3A_99 = arith.addf %add3A_97, %add3A_98 : vector<16xf32>
      %iota3A_100 = tpu.iota {dimensions = array<i32: 0>} : vector<16xi32>
      %xor3A_101 = arith.constant 8 : i32
      %xor3A_102 = vector.broadcast %xor3A_101 : i32 to vector<16xi32>
      %xor3A_103 = arith.xori %iota3A_100, %xor3A_102 : vector<16xi32>
      %lt3A_104 = arith.constant 0 : i32
      %lt3A_105 = vector.broadcast %lt3A_104 : i32 to vector<16xi32>
      %lt3A_106 = arith.cmpi slt, %xor3A_103, %lt3A_105 : vector<16xi32>
      %add3A_107 = arith.constant 16 : i32
      %add3A_108 = vector.broadcast %add3A_107 : i32 to vector<16xi32>
      %add3A_109 = arith.addi %xor3A_103, %add3A_108 : vector<16xi32>
      %select_n3A_110 = arith.select %lt3A_106, %add3A_109, %xor3A_103 : vector<16xi1>, vector<16xi32>
      %broadcast_in_dim3A_111 = vector.shape_cast %select_n3A_110 : vector<16xi32> to vector<16x1xi32>
      %gather3A_112 = vector.shape_cast %broadcast_in_dim3A_111 : vector<16x1xi32> to vector<16xi32>
      %gather3A_113 = tpu.dynamic_gather %add3A_99[%gather3A_112] in [0] : vector<16xf32>, vector<16xi32> -> vector<16xf32>
      %add3A_114 = arith.addf %add3A_99, %gather3A_113 : vector<16xf32>
      %xor3A_115 = arith.constant 4 : i32
      %xor3A_116 = vector.broadcast %xor3A_115 : i32 to vector<16xi32>
      %xor3A_117 = arith.xori %iota3A_100, %xor3A_116 : vector<16xi32>
      %lt3A_118 = arith.constant 0 : i32
      %lt3A_119 = vector.broadcast %lt3A_118 : i32 to vector<16xi32>
      %lt3A_120 = arith.cmpi slt, %xor3A_117, %lt3A_119 : vector<16xi32>
      %add3A_121 = arith.constant 16 : i32
      %add3A_122 = vector.broadcast %add3A_121 : i32 to vector<16xi32>
      %add3A_123 = arith.addi %xor3A_117, %add3A_122 : vector<16xi32>
      %select_n3A_124 = arith.select %lt3A_120, %add3A_123, %xor3A_117 : vector<16xi1>, vector<16xi32>
      %broadcast_in_dim3A_125 = vector.shape_cast %select_n3A_124 : vector<16xi32> to vector<16x1xi32>
      %gather3A_126 = vector.shape_cast %broadcast_in_dim3A_125 : vector<16x1xi32> to vector<16xi32>
      %gather3A_127 = tpu.dynamic_gather %add3A_114[%gather3A_126] in [0] : vector<16xf32>, vector<16xi32> -> vector<16xf32>
      %add3A_128 = arith.addf %add3A_114, %gather3A_127 : vector<16xf32>
      %xor3A_129 = arith.constant 2 : i32
      %xor3A_130 = vector.broadcast %xor3A_129 : i32 to vector<16xi32>
      %xor3A_131 = arith.xori %iota3A_100, %xor3A_130 : vector<16xi32>
      %lt3A_132 = arith.constant 0 : i32
      %lt3A_133 = vector.broadcast %lt3A_132 : i32 to vector<16xi32>
      %lt3A_134 = arith.cmpi slt, %xor3A_131, %lt3A_133 : vector<16xi32>
      %add3A_135 = arith.constant 16 : i32
      %add3A_136 = vector.broadcast %add3A_135 : i32 to vector<16xi32>
      %add3A_137 = arith.addi %xor3A_131, %add3A_136 : vector<16xi32>
      %select_n3A_138 = arith.select %lt3A_134, %add3A_137, %xor3A_131 : vector<16xi1>, vector<16xi32>
      %broadcast_in_dim3A_139 = vector.shape_cast %select_n3A_138 : vector<16xi32> to vector<16x1xi32>
      %gather3A_140 = vector.shape_cast %broadcast_in_dim3A_139 : vector<16x1xi32> to vector<16xi32>
      %gather3A_141 = tpu.dynamic_gather %add3A_128[%gather3A_140] in [0] : vector<16xf32>, vector<16xi32> -> vector<16xf32>
      %add3A_142 = arith.addf %add3A_128, %gather3A_141 : vector<16xf32>
      %xor3A_143 = arith.constant 1 : i32
      %xor3A_144 = vector.broadcast %xor3A_143 : i32 to vector<16xi32>
      %xor3A_145 = arith.xori %iota3A_100, %xor3A_144 : vector<16xi32>
      %lt3A_146 = arith.constant 0 : i32
      %lt3A_147 = vector.broadcast %lt3A_146 : i32 to vector<16xi32>
      %lt3A_148 = arith.cmpi slt, %xor3A_145, %lt3A_147 : vector<16xi32>
      %add3A_149 = arith.constant 16 : i32
      %add3A_150 = vector.broadcast %add3A_149 : i32 to vector<16xi32>
      %add3A_151 = arith.addi %xor3A_145, %add3A_150 : vector<16xi32>
      %select_n3A_152 = arith.select %lt3A_148, %add3A_151, %xor3A_145 : vector<16xi1>, vector<16xi32>
      %broadcast_in_dim3A_153 = vector.shape_cast %select_n3A_152 : vector<16xi32> to vector<16x1xi32>
      %gather3A_154 = vector.shape_cast %broadcast_in_dim3A_153 : vector<16x1xi32> to vector<16xi32>
      %gather3A_155 = tpu.dynamic_gather %add3A_142[%gather3A_154] in [0] : vector<16xf32>, vector<16xi32> -> vector<16xf32>
      %add3A_156 = arith.addf %add3A_142, %gather3A_155 : vector<16xf32>
      %mul3A_157 = arith.constant 0.949999988 : f32
      %mul3A_158 = vector.broadcast %mul3A_157 : f32 to vector<16xf32>
      %mul3A_159 = arith.mulf %mul3A_158, %add3A_156 : vector<16xf32>
      %scan3A_160 = arith.constant 0 : i32
      %scan3A_161 = arith.constant 256 : i32
      %scan3A_162 = arith.addi %scan3A_160, %scan3A_161 : i32
      %scan3A_163 = arith.constant 1 : i32
      %scan3A_164:3 = scf.for %scan3A_433 = %scan3A_160 to %scan3A_162 step %scan3A_163 iter_args(%scan3A_434 = %broadcast_in_dim3A_1, %scan3A_435 = %broadcast_in_dim3A_5, %scan3A_436 = %broadcast_in_dim3A_1) -> (vector<16xf32>, vector<16xi32>, vector<16xf32>)  : i32 {
        %mul3A_437 = arith.constant 16 : i32
        %mul3A_438 = arith.muli %scan3A_433, %mul3A_437 : i32
        %get3A = arith.index_cast %mul3A_438 : i32 to index
        %get3A_439 = tpu.vector_load %arg5[%get3A] {strides = array<i32>} : memref<4096xf32, #tpu.memory_space<vmem>>, vector<16xf32>,
        %broadcast_in_dim3A_440 = arith.constant true
        %broadcast_in_dim3A_441 = vector.broadcast %broadcast_in_dim3A_440 : i1 to vector<16xi1>
        %masked_cumsum3A = tpu.scan <sum>, %get3A_439 masked %broadcast_in_dim3A_441 : vector<16xf32>, vector<16xi1> -> vector<16xf32>
        %add3A_442 = arith.addf %masked_cumsum3A, %scan3A_434 : vector<16xf32>
        %lt3A_443 = arith.cmpf olt, %add3A_442, %mul3A_159 : vector<16xf32>
        %select_n3A_444 = arith.select %lt3A_443, %broadcast_in_dim3A_7, %broadcast_in_dim3A_5 : vector<16xi1>, vector<16xi32>
        %add3A_445 = arith.addi %scan3A_435, %select_n3A_444 : vector<16xi32>
        %select_n3A_446 = arith.select %lt3A_443, %get3A_439, %broadcast_in_dim3A_1 : vector<16xi1>, vector<16xf32>
        %add3A_447 = arith.addf %scan3A_436, %select_n3A_446 : vector<16xf32>
        %iota3A_448 = tpu.iota {dimensions = array<i32: 0>} : vector<16xi32>
        %xor3A_449 = arith.constant 8 : i32
        %xor3A_450 = vector.broadcast %xor3A_449 : i32 to vector<16xi32>
        %xor3A_451 = arith.xori %iota3A_448, %xor3A_450 : vector<16xi32>
        %lt3A_452 = arith.constant 0 : i32
        %lt3A_453 = vector.broadcast %lt3A_452 : i32 to vector<16xi32>
        %lt3A_454 = arith.cmpi slt, %xor3A_451, %lt3A_453 : vector<16xi32>
        %add3A_455 = arith.constant 16 : i32
        %add3A_456 = vector.broadcast %add3A_455 : i32 to vector<16xi32>
        %add3A_457 = arith.addi %xor3A_451, %add3A_456 : vector<16xi32>
        %select_n3A_458 = arith.select %lt3A_454, %add3A_457, %xor3A_451 : vector<16xi1>, vector<16xi32>
        %broadcast_in_dim3A_459 = vector.shape_cast %select_n3A_458 : vector<16xi32> to vector<16x1xi32>
        %gather3A_460 = vector.shape_cast %broadcast_in_dim3A_459 : vector<16x1xi32> to vector<16xi32>
        %gather3A_461 = tpu.dynamic_gather %get3A_439[%gather3A_460] in [0] : vector<16xf32>, vector<16xi32> -> vector<16xf32>
        %add3A_462 = arith.addf %get3A_439, %gather3A_461 : vector<16xf32>
        %xor3A_463 = arith.constant 4 : i32
        %xor3A_464 = vector.broadcast %xor3A_463 : i32 to vector<16xi32>
        %xor3A_465 = arith.xori %iota3A_448, %xor3A_464 : vector<16xi32>
        %lt3A_466 = arith.constant 0 : i32
        %lt3A_467 = vector.broadcast %lt3A_466 : i32 to vector<16xi32>
        %lt3A_468 = arith.cmpi slt, %xor3A_465, %lt3A_467 : vector<16xi32>
        %add3A_469 = arith.constant 16 : i32
        %add3A_470 = vector.broadcast %add3A_469 : i32 to vector<16xi32>
        %add3A_471 = arith.addi %xor3A_465, %add3A_470 : vector<16xi32>
        %select_n3A_472 = arith.select %lt3A_468, %add3A_471, %xor3A_465 : vector<16xi1>, vector<16xi32>
        %broadcast_in_dim3A_473 = vector.shape_cast %select_n3A_472 : vector<16xi32> to vector<16x1xi32>
        %gather3A_474 = vector.shape_cast %broadcast_in_dim3A_473 : vector<16x1xi32> to vector<16xi32>
        %gather3A_475 = tpu.dynamic_gather %add3A_462[%gather3A_474] in [0] : vector<16xf32>, vector<16xi32> -> vector<16xf32>
        %add3A_476 = arith.addf %add3A_462, %gather3A_475 : vector<16xf32>
        %xor3A_477 = arith.constant 2 : i32
        %xor3A_478 = vector.broadcast %xor3A_477 : i32 to vector<16xi32>
        %xor3A_479 = arith.xori %iota3A_448, %xor3A_478 : vector<16xi32>
        %lt3A_480 = arith.constant 0 : i32
        %lt3A_481 = vector.broadcast %lt3A_480 : i32 to vector<16xi32>
        %lt3A_482 = arith.cmpi slt, %xor3A_479, %lt3A_481 : vector<16xi32>
        %add3A_483 = arith.constant 16 : i32
        %add3A_484 = vector.broadcast %add3A_483 : i32 to vector<16xi32>
        %add3A_485 = arith.addi %xor3A_479, %add3A_484 : vector<16xi32>
        %select_n3A_486 = arith.select %lt3A_482, %add3A_485, %xor3A_479 : vector<16xi1>, vector<16xi32>
        %broadcast_in_dim3A_487 = vector.shape_cast %select_n3A_486 : vector<16xi32> to vector<16x1xi32>
        %gather3A_488 = vector.shape_cast %broadcast_in_dim3A_487 : vector<16x1xi32> to vector<16xi32>
        %gather3A_489 = tpu.dynamic_gather %add3A_476[%gather3A_488] in [0] : vector<16xf32>, vector<16xi32> -> vector<16xf32>
        %add3A_490 = arith.addf %add3A_476, %gather3A_489 : vector<16xf32>
        %xor3A_491 = arith.constant 1 : i32
        %xor3A_492 = vector.broadcast %xor3A_491 : i32 to vector<16xi32>
        %xor3A_493 = arith.xori %iota3A_448, %xor3A_492 : vector<16xi32>
        %lt3A_494 = arith.constant 0 : i32
        %lt3A_495 = vector.broadcast %lt3A_494 : i32 to vector<16xi32>
        %lt3A_496 = arith.cmpi slt, %xor3A_493, %lt3A_495 : vector<16xi32>
        %add3A_497 = arith.constant 16 : i32
        %add3A_498 = vector.broadcast %add3A_497 : i32 to vector<16xi32>
        %add3A_499 = arith.addi %xor3A_493, %add3A_498 : vector<16xi32>
        %select_n3A_500 = arith.select %lt3A_496, %add3A_499, %xor3A_493 : vector<16xi1>, vector<16xi32>
        %broadcast_in_dim3A_501 = vector.shape_cast %select_n3A_500 : vector<16xi32> to vector<16x1xi32>
        %gather3A_502 = vector.shape_cast %broadcast_in_dim3A_501 : vector<16x1xi32> to vector<16xi32>
        %gather3A_503 = tpu.dynamic_gather %add3A_490[%gather3A_502] in [0] : vector<16xf32>, vector<16xi32> -> vector<16xf32>
        %add3A_504 = arith.addf %add3A_490, %gather3A_503 : vector<16xf32>
        %add3A_505 = arith.addf %scan3A_434, %add3A_504 : vector<16xf32>
        scf.yield %add3A_505, %add3A_445, %add3A_447 : vector<16xf32>, vector<16xi32>, vector<16xf32>
      }
      %scan3A_165 = arith.constant 256 : i32
      %iota3A_166 = tpu.iota {dimensions = array<i32: 0>} : vector<16xi32>
      %xor3A_167 = arith.constant 8 : i32
      %xor3A_168 = vector.broadcast %xor3A_167 : i32 to vector<16xi32>
      %xor3A_169 = arith.xori %iota3A_166, %xor3A_168 : vector<16xi32>
      %lt3A_170 = arith.constant 0 : i32
      %lt3A_171 = vector.broadcast %lt3A_170 : i32 to vector<16xi32>
      %lt3A_172 = arith.cmpi slt, %xor3A_169, %lt3A_171 : vector<16xi32>
      %add3A_173 = arith.constant 16 : i32
      %add3A_174 = vector.broadcast %add3A_173 : i32 to vector<16xi32>
      %add3A_175 = arith.addi %xor3A_169, %add3A_174 : vector<16xi32>
      %select_n3A_176 = arith.select %lt3A_172, %add3A_175, %xor3A_169 : vector<16xi1>, vector<16xi32>
      %broadcast_in_dim3A_177 = vector.shape_cast %select_n3A_176 : vector<16xi32> to vector<16x1xi32>
      %gather3A_178 = vector.shape_cast %broadcast_in_dim3A_177 : vector<16x1xi32> to vector<16xi32>
      %gather3A_179 = tpu.dynamic_gather %scan3A_164#1[%gather3A_178] in [0] : vector<16xi32>, vector<16xi32> -> vector<16xi32>
      %add3A_180 = arith.addi %scan3A_164#1, %gather3A_179 : vector<16xi32>
      %xor3A_181 = arith.constant 4 : i32
      %xor3A_182 = vector.broadcast %xor3A_181 : i32 to vector<16xi32>
      %xor3A_183 = arith.xori %iota3A_166, %xor3A_182 : vector<16xi32>
      %lt3A_184 = arith.constant 0 : i32
      %lt3A_185 = vector.broadcast %lt3A_184 : i32 to vector<16xi32>
      %lt3A_186 = arith.cmpi slt, %xor3A_183, %lt3A_185 : vector<16xi32>
      %add3A_187 = arith.constant 16 : i32
      %add3A_188 = vector.broadcast %add3A_187 : i32 to vector<16xi32>
      %add3A_189 = arith.addi %xor3A_183, %add3A_188 : vector<16xi32>
      %select_n3A_190 = arith.select %lt3A_186, %add3A_189, %xor3A_183 : vector<16xi1>, vector<16xi32>
      %broadcast_in_dim3A_191 = vector.shape_cast %select_n3A_190 : vector<16xi32> to vector<16x1xi32>
      %gather3A_192 = vector.shape_cast %broadcast_in_dim3A_191 : vector<16x1xi32> to vector<16xi32>
      %gather3A_193 = tpu.dynamic_gather %add3A_180[%gather3A_192] in [0] : vector<16xi32>, vector<16xi32> -> vector<16xi32>
      %add3A_194 = arith.addi %add3A_180, %gather3A_193 : vector<16xi32>
      %xor3A_195 = arith.constant 2 : i32
      %xor3A_196 = vector.broadcast %xor3A_195 : i32 to vector<16xi32>
      %xor3A_197 = arith.xori %iota3A_166, %xor3A_196 : vector<16xi32>
      %lt3A_198 = arith.constant 0 : i32
      %lt3A_199 = vector.broadcast %lt3A_198 : i32 to vector<16xi32>
      %lt3A_200 = arith.cmpi slt, %xor3A_197, %lt3A_199 : vector<16xi32>
      %add3A_201 = arith.constant 16 : i32
      %add3A_202 = vector.broadcast %add3A_201 : i32 to vector<16xi32>
      %add3A_203 = arith.addi %xor3A_197, %add3A_202 : vector<16xi32>
      %select_n3A_204 = arith.select %lt3A_200, %add3A_203, %xor3A_197 : vector<16xi1>, vector<16xi32>
      %broadcast_in_dim3A_205 = vector.shape_cast %select_n3A_204 : vector<16xi32> to vector<16x1xi32>
      %gather3A_206 = vector.shape_cast %broadcast_in_dim3A_205 : vector<16x1xi32> to vector<16xi32>
      %gather3A_207 = tpu.dynamic_gather %add3A_194[%gather3A_206] in [0] : vector<16xi32>, vector<16xi32> -> vector<16xi32>
      %add3A_208 = arith.addi %add3A_194, %gather3A_207 : vector<16xi32>
      %xor3A_209 = arith.constant 1 : i32
      %xor3A_210 = vector.broadcast %xor3A_209 : i32 to vector<16xi32>
      %xor3A_211 = arith.xori %iota3A_166, %xor3A_210 : vector<16xi32>
      %lt3A_212 = arith.constant 0 : i32
      %lt3A_213 = vector.broadcast %lt3A_212 : i32 to vector<16xi32>
      %lt3A_214 = arith.cmpi slt, %xor3A_211, %lt3A_213 : vector<16xi32>
      %add3A_215 = arith.constant 16 : i32
      %add3A_216 = vector.broadcast %add3A_215 : i32 to vector<16xi32>
      %add3A_217 = arith.addi %xor3A_211, %add3A_216 : vector<16xi32>
      %select_n3A_218 = arith.select %lt3A_214, %add3A_217, %xor3A_211 : vector<16xi1>, vector<16xi32>
      %broadcast_in_dim3A_219 = vector.shape_cast %select_n3A_218 : vector<16xi32> to vector<16x1xi32>
      %gather3A_220 = vector.shape_cast %broadcast_in_dim3A_219 : vector<16x1xi32> to vector<16xi32>
      %gather3A_221 = tpu.dynamic_gather %add3A_208[%gather3A_220] in [0] : vector<16xi32>, vector<16xi32> -> vector<16xi32>
      %add3A_222 = arith.addi %add3A_208, %gather3A_221 : vector<16xi32>
      %min3A = arith.constant 4095 : i32
      %min3A_223 = vector.broadcast %min3A : i32 to vector<16xi32>
      %min3A_224 = arith.minsi %add3A_222, %min3A_223 : vector<16xi32>
      %iota3A_225 = tpu.iota {dimensions = array<i32: 0>} : vector<16xi32>
      %xor3A_226 = arith.constant 8 : i32
      %xor3A_227 = vector.broadcast %xor3A_226 : i32 to vector<16xi32>
      %xor3A_228 = arith.xori %iota3A_225, %xor3A_227 : vector<16xi32>
      %lt3A_229 = arith.constant 0 : i32
      %lt3A_230 = vector.broadcast %lt3A_229 : i32 to vector<16xi32>
      %lt3A_231 = arith.cmpi slt, %xor3A_228, %lt3A_230 : vector<16xi32>
      %add3A_232 = arith.constant 16 : i32
      %add3A_233 = vector.broadcast %add3A_232 : i32 to vector<16xi32>
      %add3A_234 = arith.addi %xor3A_228, %add3A_233 : vector<16xi32>
      %select_n3A_235 = arith.select %lt3A_231, %add3A_234, %xor3A_228 : vector<16xi1>, vector<16xi32>
      %broadcast_in_dim3A_236 = vector.shape_cast %select_n3A_235 : vector<16xi32> to vector<16x1xi32>
      %gather3A_237 = vector.shape_cast %broadcast_in_dim3A_236 : vector<16x1xi32> to vector<16xi32>
      %gather3A_238 = tpu.dynamic_gather %scan3A_164#2[%gather3A_237] in [0] : vector<16xf32>, vector<16xi32> -> vector<16xf32>
      %add3A_239 = arith.addf %scan3A_164#2, %gather3A_238 : vector<16xf32>
      %xor3A_240 = arith.constant 4 : i32
      %xor3A_241 = vector.broadcast %xor3A_240 : i32 to vector<16xi32>
      %xor3A_242 = arith.xori %iota3A_225, %xor3A_241 : vector<16xi32>
      %lt3A_243 = arith.constant 0 : i32
      %lt3A_244 = vector.broadcast %lt3A_243 : i32 to vector<16xi32>
      %lt3A_245 = arith.cmpi slt, %xor3A_242, %lt3A_244 : vector<16xi32>
      %add3A_246 = arith.constant 16 : i32
      %add3A_247 = vector.broadcast %add3A_246 : i32 to vector<16xi32>
      %add3A_248 = arith.addi %xor3A_242, %add3A_247 : vector<16xi32>
      %select_n3A_249 = arith.select %lt3A_245, %add3A_248, %xor3A_242 : vector<16xi1>, vector<16xi32>
      %broadcast_in_dim3A_250 = vector.shape_cast %select_n3A_249 : vector<16xi32> to vector<16x1xi32>
      %gather3A_251 = vector.shape_cast %broadcast_in_dim3A_250 : vector<16x1xi32> to vector<16xi32>
      %gather3A_252 = tpu.dynamic_gather %add3A_239[%gather3A_251] in [0] : vector<16xf32>, vector<16xi32> -> vector<16xf32>
      %add3A_253 = arith.addf %add3A_239, %gather3A_252 : vector<16xf32>
      %xor3A_254 = arith.constant 2 : i32
      %xor3A_255 = vector.broadcast %xor3A_254 : i32 to vector<16xi32>
      %xor3A_256 = arith.xori %iota3A_225, %xor3A_255 : vector<16xi32>
      %lt3A_257 = arith.constant 0 : i32
      %lt3A_258 = vector.broadcast %lt3A_257 : i32 to vector<16xi32>
      %lt3A_259 = arith.cmpi slt, %xor3A_256, %lt3A_258 : vector<16xi32>
      %add3A_260 = arith.constant 16 : i32
      %add3A_261 = vector.broadcast %add3A_260 : i32 to vector<16xi32>
      %add3A_262 = arith.addi %xor3A_256, %add3A_261 : vector<16xi32>
      %select_n3A_263 = arith.select %lt3A_259, %add3A_262, %xor3A_256 : vector<16xi1>, vector<16xi32>
      %broadcast_in_dim3A_264 = vector.shape_cast %select_n3A_263 : vector<16xi32> to vector<16x1xi32>
      %gather3A_265 = vector.shape_cast %broadcast_in_dim3A_264 : vector<16x1xi32> to vector<16xi32>
      %gather3A_266 = tpu.dynamic_gather %add3A_253[%gather3A_265] in [0] : vector<16xf32>, vector<16xi32> -> vector<16xf32>
      %add3A_267 = arith.addf %add3A_253, %gather3A_266 : vector<16xf32>
      %xor3A_268 = arith.constant 1 : i32
      %xor3A_269 = vector.broadcast %xor3A_268 : i32 to vector<16xi32>
      %xor3A_270 = arith.xori %iota3A_225, %xor3A_269 : vector<16xi32>
      %lt3A_271 = arith.constant 0 : i32
      %lt3A_272 = vector.broadcast %lt3A_271 : i32 to vector<16xi32>
      %lt3A_273 = arith.cmpi slt, %xor3A_270, %lt3A_272 : vector<16xi32>
      %add3A_274 = arith.constant 16 : i32
      %add3A_275 = vector.broadcast %add3A_274 : i32 to vector<16xi32>
      %add3A_276 = arith.addi %xor3A_270, %add3A_275 : vector<16xi32>
      %select_n3A_277 = arith.select %lt3A_273, %add3A_276, %xor3A_270 : vector<16xi1>, vector<16xi32>
      %broadcast_in_dim3A_278 = vector.shape_cast %select_n3A_277 : vector<16xi32> to vector<16x1xi32>
      %gather3A_279 = vector.shape_cast %broadcast_in_dim3A_278 : vector<16x1xi32> to vector<16xi32>
      %gather3A_280 = tpu.dynamic_gather %add3A_267[%gather3A_279] in [0] : vector<16xf32>, vector<16xi32> -> vector<16xf32>
      %add3A_281 = arith.addf %add3A_267, %gather3A_280 : vector<16xf32>
      %convert_element_type3A = arith.sitofp %min3A_224 : vector<16xi32> to vector<16xf32>
      %mul3A_282 = arith.constant 3.906250e-03 : f32
      %mul3A_283 = vector.broadcast %mul3A_282 : f32 to vector<16xf32>
      %mul3A_284 = arith.mulf %convert_element_type3A, %mul3A_283 : vector<16xf32>
      %scan3A_285 = arith.constant 0 : i32
      %scan3A_286 = arith.constant 0 : i32
      %scan3A_287 = arith.constant 4 : i32
      %scan3A_288 = arith.addi %scan3A_286, %scan3A_287 : i32
      %scan3A_289 = arith.constant 1 : i32
      scf.for %scan3A_433 = %scan3A_286 to %scan3A_288 step %scan3A_289  : i32 {
        %mul3A_434 = arith.constant 16 : i32
        %mul3A_435 = arith.muli %scan3A_433, %mul3A_434 : i32
        %add3A_436 = arith.constant 0 : i32
        %add3A_437 = arith.addi %mul3A_435, %add3A_436 : i32
        %mul3A_438 = arith.constant 16 : i32
        %mul3A_439 = arith.muli %add3A_437, %mul3A_438 : i32
        %swap3A = arith.index_cast %mul3A_439 : i32 to index
        %swap3A_440 = tpu.vector_load %arg6[%swap3A] {strides = array<i32>} : memref<1024xf32, #tpu.memory_space<vmem>>, vector<16xf32>,
        tpu.vector_store %arg6[%swap3A], %broadcast_in_dim3A_1 {strides = array<i32>} : memref<1024xf32, #tpu.memory_space<vmem>>, vector<16xf32>,
        %mul3A_441 = arith.constant 16 : i32
        %mul3A_442 = arith.muli %scan3A_433, %mul3A_441 : i32
        %add3A_443 = arith.constant 1 : i32
        %add3A_444 = arith.addi %mul3A_442, %add3A_443 : i32
        %mul3A_445 = arith.constant 16 : i32
        %mul3A_446 = arith.muli %add3A_444, %mul3A_445 : i32
        %swap3A_447 = arith.index_cast %mul3A_446 : i32 to index
        %swap3A_448 = tpu.vector_load %arg6[%swap3A_447] {strides = array<i32>} : memref<1024xf32, #tpu.memory_space<vmem>>, vector<16xf32>,
        tpu.vector_store %arg6[%swap3A_447], %broadcast_in_dim3A_1 {strides = array<i32>} : memref<1024xf32, #tpu.memory_space<vmem>>, vector<16xf32>,
        %mul3A_449 = arith.constant 16 : i32
        %mul3A_450 = arith.muli %scan3A_433, %mul3A_449 : i32
        %add3A_451 = arith.constant 2 : i32
        %add3A_452 = arith.addi %mul3A_450, %add3A_451 : i32
        %mul3A_453 = arith.constant 16 : i32
        %mul3A_454 = arith.muli %add3A_452, %mul3A_453 : i32
        %swap3A_455 = arith.index_cast %mul3A_454 : i32 to index
        %swap3A_456 = tpu.vector_load %arg6[%swap3A_455] {strides = array<i32>} : memref<1024xf32, #tpu.memory_space<vmem>>, vector<16xf32>,
        tpu.vector_store %arg6[%swap3A_455], %broadcast_in_dim3A_1 {strides = array<i32>} : memref<1024xf32, #tpu.memory_space<vmem>>, vector<16xf32>,
        %mul3A_457 = arith.constant 16 : i32
        %mul3A_458 = arith.muli %scan3A_433, %mul3A_457 : i32
        %add3A_459 = arith.constant 3 : i32
        %add3A_460 = arith.addi %mul3A_458, %add3A_459 : i32
        %mul3A_461 = arith.constant 16 : i32
        %mul3A_462 = arith.muli %add3A_460, %mul3A_461 : i32
        %swap3A_463 = arith.index_cast %mul3A_462 : i32 to index
        %swap3A_464 = tpu.vector_load %arg6[%swap3A_463] {strides = array<i32>} : memref<1024xf32, #tpu.memory_space<vmem>>, vector<16xf32>,
        tpu.vector_store %arg6[%swap3A_463], %broadcast_in_dim3A_1 {strides = array<i32>} : memref<1024xf32, #tpu.memory_space<vmem>>, vector<16xf32>,
        %mul3A_465 = arith.constant 16 : i32
        %mul3A_466 = arith.muli %scan3A_433, %mul3A_465 : i32
        %add3A_467 = arith.constant 4 : i32
        %add3A_468 = arith.addi %mul3A_466, %add3A_467 : i32
        %mul3A_469 = arith.constant 16 : i32
        %mul3A_470 = arith.muli %add3A_468, %mul3A_469 : i32
        %swap3A_471 = arith.index_cast %mul3A_470 : i32 to index
        %swap3A_472 = tpu.vector_load %arg6[%swap3A_471] {strides = array<i32>} : memref<1024xf32, #tpu.memory_space<vmem>>, vector<16xf32>,
        tpu.vector_store %arg6[%swap3A_471], %broadcast_in_dim3A_1 {strides = array<i32>} : memref<1024xf32, #tpu.memory_space<vmem>>, vector<16xf32>,
        %mul3A_473 = arith.constant 16 : i32
        %mul3A_474 = arith.muli %scan3A_433, %mul3A_473 : i32
        %add3A_475 = arith.constant 5 : i32
        %add3A_476 = arith.addi %mul3A_474, %add3A_475 : i32
        %mul3A_477 = arith.constant 16 : i32
        %mul3A_478 = arith.muli %add3A_476, %mul3A_477 : i32
        %swap3A_479 = arith.index_cast %mul3A_478 : i32 to index
        %swap3A_480 = tpu.vector_load %arg6[%swap3A_479] {strides = array<i32>} : memref<1024xf32, #tpu.memory_space<vmem>>, vector<16xf32>,
        tpu.vector_store %arg6[%swap3A_479], %broadcast_in_dim3A_1 {strides = array<i32>} : memref<1024xf32, #tpu.memory_space<vmem>>, vector<16xf32>,
        %mul3A_481 = arith.constant 16 : i32
        %mul3A_482 = arith.muli %scan3A_433, %mul3A_481 : i32
        %add3A_483 = arith.constant 6 : i32
        %add3A_484 = arith.addi %mul3A_482, %add3A_483 : i32
        %mul3A_485 = arith.constant 16 : i32
        %mul3A_486 = arith.muli %add3A_484, %mul3A_485 : i32
        %swap3A_487 = arith.index_cast %mul3A_486 : i32 to index
        %swap3A_488 = tpu.vector_load %arg6[%swap3A_487] {strides = array<i32>} : memref<1024xf32, #tpu.memory_space<vmem>>, vector<16xf32>,
        tpu.vector_store %arg6[%swap3A_487], %broadcast_in_dim3A_1 {strides = array<i32>} : memref<1024xf32, #tpu.memory_space<vmem>>, vector<16xf32>,
        %mul3A_489 = arith.constant 16 : i32
        %mul3A_490 = arith.muli %scan3A_433, %mul3A_489 : i32
        %add3A_491 = arith.constant 7 : i32
        %add3A_492 = arith.addi %mul3A_490, %add3A_491 : i32
        %mul3A_493 = arith.constant 16 : i32
        %mul3A_494 = arith.muli %add3A_492, %mul3A_493 : i32
        %swap3A_495 = arith.index_cast %mul3A_494 : i32 to index
        %swap3A_496 = tpu.vector_load %arg6[%swap3A_495] {strides = array<i32>} : memref<1024xf32, #tpu.memory_space<vmem>>, vector<16xf32>,
        tpu.vector_store %arg6[%swap3A_495], %broadcast_in_dim3A_1 {strides = array<i32>} : memref<1024xf32, #tpu.memory_space<vmem>>, vector<16xf32>,
        %mul3A_497 = arith.constant 16 : i32
        %mul3A_498 = arith.muli %scan3A_433, %mul3A_497 : i32
        %add3A_499 = arith.constant 8 : i32
        %add3A_500 = arith.addi %mul3A_498, %add3A_499 : i32
        %mul3A_501 = arith.constant 16 : i32
        %mul3A_502 = arith.muli %add3A_500, %mul3A_501 : i32
        %swap3A_503 = arith.index_cast %mul3A_502 : i32 to index
        %swap3A_504 = tpu.vector_load %arg6[%swap3A_503] {strides = array<i32>} : memref<1024xf32, #tpu.memory_space<vmem>>, vector<16xf32>,
        tpu.vector_store %arg6[%swap3A_503], %broadcast_in_dim3A_1 {strides = array<i32>} : memref<1024xf32, #tpu.memory_space<vmem>>, vector<16xf32>,
        %mul3A_505 = arith.constant 16 : i32
        %mul3A_506 = arith.muli %scan3A_433, %mul3A_505 : i32
        %add3A_507 = arith.constant 9 : i32
        %add3A_508 = arith.addi %mul3A_506, %add3A_507 : i32
        %mul3A_509 = arith.constant 16 : i32
        %mul3A_510 = arith.muli %add3A_508, %mul3A_509 : i32
        %swap3A_511 = arith.index_cast %mul3A_510 : i32 to index
        %swap3A_512 = tpu.vector_load %arg6[%swap3A_511] {strides = array<i32>} : memref<1024xf32, #tpu.memory_space<vmem>>, vector<16xf32>,
        tpu.vector_store %arg6[%swap3A_511], %broadcast_in_dim3A_1 {strides = array<i32>} : memref<1024xf32, #tpu.memory_space<vmem>>, vector<16xf32>,
        %mul3A_513 = arith.constant 16 : i32
        %mul3A_514 = arith.muli %scan3A_433, %mul3A_513 : i32
        %add3A_515 = arith.constant 10 : i32
        %add3A_516 = arith.addi %mul3A_514, %add3A_515 : i32
        %mul3A_517 = arith.constant 16 : i32
        %mul3A_518 = arith.muli %add3A_516, %mul3A_517 : i32
        %swap3A_519 = arith.index_cast %mul3A_518 : i32 to index
        %swap3A_520 = tpu.vector_load %arg6[%swap3A_519] {strides = array<i32>} : memref<1024xf32, #tpu.memory_space<vmem>>, vector<16xf32>,
        tpu.vector_store %arg6[%swap3A_519], %broadcast_in_dim3A_1 {strides = array<i32>} : memref<1024xf32, #tpu.memory_space<vmem>>, vector<16xf32>,
        %mul3A_521 = arith.constant 16 : i32
        %mul3A_522 = arith.muli %scan3A_433, %mul3A_521 : i32
        %add3A_523 = arith.constant 11 : i32
        %add3A_524 = arith.addi %mul3A_522, %add3A_523 : i32
        %mul3A_525 = arith.constant 16 : i32
        %mul3A_526 = arith.muli %add3A_524, %mul3A_525 : i32
        %swap3A_527 = arith.index_cast %mul3A_526 : i32 to index
        %swap3A_528 = tpu.vector_load %arg6[%swap3A_527] {strides = array<i32>} : memref<1024xf32, #tpu.memory_space<vmem>>, vector<16xf32>,
        tpu.vector_store %arg6[%swap3A_527], %broadcast_in_dim3A_1 {strides = array<i32>} : memref<1024xf32, #tpu.memory_space<vmem>>, vector<16xf32>,
        %mul3A_529 = arith.constant 16 : i32
        %mul3A_530 = arith.muli %scan3A_433, %mul3A_529 : i32
        %add3A_531 = arith.constant 12 : i32
        %add3A_532 = arith.addi %mul3A_530, %add3A_531 : i32
        %mul3A_533 = arith.constant 16 : i32
        %mul3A_534 = arith.muli %add3A_532, %mul3A_533 : i32
        %swap3A_535 = arith.index_cast %mul3A_534 : i32 to index
        %swap3A_536 = tpu.vector_load %arg6[%swap3A_535] {strides = array<i32>} : memref<1024xf32, #tpu.memory_space<vmem>>, vector<16xf32>,
        tpu.vector_store %arg6[%swap3A_535], %broadcast_in_dim3A_1 {strides = array<i32>} : memref<1024xf32, #tpu.memory_space<vmem>>, vector<16xf32>,
        %mul3A_537 = arith.constant 16 : i32
        %mul3A_538 = arith.muli %scan3A_433, %mul3A_537 : i32
        %add3A_539 = arith.constant 13 : i32
        %add3A_540 = arith.addi %mul3A_538, %add3A_539 : i32
        %mul3A_541 = arith.constant 16 : i32
        %mul3A_542 = arith.muli %add3A_540, %mul3A_541 : i32
        %swap3A_543 = arith.index_cast %mul3A_542 : i32 to index
        %swap3A_544 = tpu.vector_load %arg6[%swap3A_543] {strides = array<i32>} : memref<1024xf32, #tpu.memory_space<vmem>>, vector<16xf32>,
        tpu.vector_store %arg6[%swap3A_543], %broadcast_in_dim3A_1 {strides = array<i32>} : memref<1024xf32, #tpu.memory_space<vmem>>, vector<16xf32>,
        %mul3A_545 = arith.constant 16 : i32
        %mul3A_546 = arith.muli %scan3A_433, %mul3A_545 : i32
        %add3A_547 = arith.constant 14 : i32
        %add3A_548 = arith.addi %mul3A_546, %add3A_547 : i32
        %mul3A_549 = arith.constant 16 : i32
        %mul3A_550 = arith.muli %add3A_548, %mul3A_549 : i32
        %swap3A_551 = arith.index_cast %mul3A_550 : i32 to index
        %swap3A_552 = tpu.vector_load %arg6[%swap3A_551] {strides = array<i32>} : memref<1024xf32, #tpu.memory_space<vmem>>, vector<16xf32>,
        tpu.vector_store %arg6[%swap3A_551], %broadcast_in_dim3A_1 {strides = array<i32>} : memref<1024xf32, #tpu.memory_space<vmem>>, vector<16xf32>,
        %mul3A_553 = arith.constant 16 : i32
        %mul3A_554 = arith.muli %scan3A_433, %mul3A_553 : i32
        %add3A_555 = arith.constant 15 : i32
        %add3A_556 = arith.addi %mul3A_554, %add3A_555 : i32
        %mul3A_557 = arith.constant 16 : i32
        %mul3A_558 = arith.muli %add3A_556, %mul3A_557 : i32
        %swap3A_559 = arith.index_cast %mul3A_558 : i32 to index
        %swap3A_560 = tpu.vector_load %arg6[%swap3A_559] {strides = array<i32>} : memref<1024xf32, #tpu.memory_space<vmem>>, vector<16xf32>,
        tpu.vector_store %arg6[%swap3A_559], %broadcast_in_dim3A_1 {strides = array<i32>} : memref<1024xf32, #tpu.memory_space<vmem>>, vector<16xf32>,
      }
      %scan3A_290 = arith.constant 4 : i32
      %scan3A_291 = arith.constant 0 : i32
      %scan3A_292 = arith.constant 0 : i32
      %scan3A_293 = arith.constant 1250 : i32
      %scan3A_294 = arith.addi %scan3A_292, %scan3A_293 : i32
      %scan3A_295 = arith.constant 1 : i32
      scf.for %scan3A_433 = %scan3A_292 to %scan3A_294 step %scan3A_295  : i32 {
        %mul3A_434 = arith.constant 5 : i32
        %mul3A_435 = arith.muli %scan3A_433, %mul3A_434 : i32
        %add3A_436 = arith.constant 0 : i32
        %add3A_437 = arith.addi %mul3A_435, %add3A_436 : i32
        %mul3A_438 = arith.constant 16 : i32
        %mul3A_439 = arith.muli %add3A_437, %mul3A_438 : i32
        %get3A = arith.index_cast %mul3A_439 : i32 to index
        %get3A_440 = tpu.vector_load %arg4[%get3A] {strides = array<i32>} : memref<100000xf32, #tpu.memory_space<vmem>>, vector<16xf32>,
        %sub3A_441 = arith.subf %max3A_78, %get3A_440 : vector<16xf32>
        %sub3A_442 = arith.subf %get3A_440, %max3A_78 : vector<16xf32>
        %exp3A = math.exp %sub3A_442 : vector<16xf32>
        %mul3A_443 = arith.constant 2.560000e+02 : f32
        %mul3A_444 = vector.broadcast %mul3A_443 : f32 to vector<16xf32>
        %mul3A_445 = arith.mulf %sub3A_441, %mul3A_444 : vector<16xf32>
        %min3A_446 = arith.constant 4.095000e+03 : f32
        %min3A_447 = vector.broadcast %min3A_446 : f32 to vector<16xf32>
        %min3A_448 = arith.minimumf %mul3A_445, %min3A_447 : vector<16xf32>
        %convert_element_type3A_449 = arith.fptosi %min3A_448 : vector<16xf32> to vector<16xi32>
        %eq3A = arith.cmpi eq, %convert_element_type3A_449, %min3A_224 : vector<16xi32>
        %sub3A_450 = arith.subf %sub3A_441, %mul3A_284 : vector<16xf32>
        %mul3A_451 = arith.constant 2.621440e+05 : f32
        %mul3A_452 = vector.broadcast %mul3A_451 : f32 to vector<16xf32>
        %mul3A_453 = arith.mulf %sub3A_450, %mul3A_452 : vector<16xf32>
        %jit3A = arith.constant 0.000000e+00 : f32
        %jit3A_454 = arith.constant 1.023000e+03 : f32
        %max3A_455 = vector.broadcast %jit3A : f32 to vector<16xf32>
        %max3A_456 = arith.maximumf %max3A_455, %mul3A_453 : vector<16xf32>
        %min3A_457 = vector.broadcast %jit3A_454 : f32 to vector<16xf32>
        %min3A_458 = arith.minimumf %min3A_457, %max3A_456 : vector<16xf32>
        %convert_element_type3A_459 = arith.fptosi %min3A_458 : vector<16xf32> to vector<16xi32>
        tpu.vector_store_idx %arg6[%convert_element_type3A_459], %exp3A masked %eq3A {add = true} : memref<1024xf32, #tpu.memory_space<vmem>>[vector<16xi32>], vector<16xf32>, vector<16xi1>
        %mul3A_460 = arith.constant 5 : i32
        %mul3A_461 = arith.muli %scan3A_433, %mul3A_460 : i32
        %add3A_462 = arith.constant 1 : i32
        %add3A_463 = arith.addi %mul3A_461, %add3A_462 : i32
        %mul3A_464 = arith.constant 16 : i32
        %mul3A_465 = arith.muli %add3A_463, %mul3A_464 : i32
        %get3A_466 = arith.index_cast %mul3A_465 : i32 to index
        %get3A_467 = tpu.vector_load %arg4[%get3A_466] {strides = array<i32>} : memref<100000xf32, #tpu.memory_space<vmem>>, vector<16xf32>,
        %sub3A_468 = arith.subf %max3A_78, %get3A_467 : vector<16xf32>
        %sub3A_469 = arith.subf %get3A_467, %max3A_78 : vector<16xf32>
        %exp3A_470 = math.exp %sub3A_469 : vector<16xf32>
        %mul3A_471 = arith.constant 2.560000e+02 : f32
        %mul3A_472 = vector.broadcast %mul3A_471 : f32 to vector<16xf32>
        %mul3A_473 = arith.mulf %sub3A_468, %mul3A_472 : vector<16xf32>
        %min3A_474 = arith.constant 4.095000e+03 : f32
        %min3A_475 = vector.broadcast %min3A_474 : f32 to vector<16xf32>
        %min3A_476 = arith.minimumf %mul3A_473, %min3A_475 : vector<16xf32>
        %convert_element_type3A_477 = arith.fptosi %min3A_476 : vector<16xf32> to vector<16xi32>
        %eq3A_478 = arith.cmpi eq, %convert_element_type3A_477, %min3A_224 : vector<16xi32>
        %sub3A_479 = arith.subf %sub3A_468, %mul3A_284 : vector<16xf32>
        %mul3A_480 = arith.constant 2.621440e+05 : f32
        %mul3A_481 = vector.broadcast %mul3A_480 : f32 to vector<16xf32>
        %mul3A_482 = arith.mulf %sub3A_479, %mul3A_481 : vector<16xf32>
        %jit3A_483 = arith.constant 0.000000e+00 : f32
        %jit3A_484 = arith.constant 1.023000e+03 : f32
        %max3A_485 = vector.broadcast %jit3A_483 : f32 to vector<16xf32>
        %max3A_486 = arith.maximumf %max3A_485, %mul3A_482 : vector<16xf32>
        %min3A_487 = vector.broadcast %jit3A_484 : f32 to vector<16xf32>
        %min3A_488 = arith.minimumf %min3A_487, %max3A_486 : vector<16xf32>
        %convert_element_type3A_489 = arith.fptosi %min3A_488 : vector<16xf32> to vector<16xi32>
        tpu.vector_store_idx %arg6[%convert_element_type3A_489], %exp3A_470 masked %eq3A_478 {add = true} : memref<1024xf32, #tpu.memory_space<vmem>>[vector<16xi32>], vector<16xf32>, vector<16xi1>
        %mul3A_490 = arith.constant 5 : i32
        %mul3A_491 = arith.muli %scan3A_433, %mul3A_490 : i32
        %add3A_492 = arith.constant 2 : i32
        %add3A_493 = arith.addi %mul3A_491, %add3A_492 : i32
        %mul3A_494 = arith.constant 16 : i32
        %mul3A_495 = arith.muli %add3A_493, %mul3A_494 : i32
        %get3A_496 = arith.index_cast %mul3A_495 : i32 to index
        %get3A_497 = tpu.vector_load %arg4[%get3A_496] {strides = array<i32>} : memref<100000xf32, #tpu.memory_space<vmem>>, vector<16xf32>,
        %sub3A_498 = arith.subf %max3A_78, %get3A_497 : vector<16xf32>
        %sub3A_499 = arith.subf %get3A_497, %max3A_78 : vector<16xf32>
        %exp3A_500 = math.exp %sub3A_499 : vector<16xf32>
        %mul3A_501 = arith.constant 2.560000e+02 : f32
        %mul3A_502 = vector.broadcast %mul3A_501 : f32 to vector<16xf32>
        %mul3A_503 = arith.mulf %sub3A_498, %mul3A_502 : vector<16xf32>
        %min3A_504 = arith.constant 4.095000e+03 : f32
        %min3A_505 = vector.broadcast %min3A_504 : f32 to vector<16xf32>
        %min3A_506 = arith.minimumf %mul3A_503, %min3A_505 : vector<16xf32>
        %convert_element_type3A_507 = arith.fptosi %min3A_506 : vector<16xf32> to vector<16xi32>
        %eq3A_508 = arith.cmpi eq, %convert_element_type3A_507, %min3A_224 : vector<16xi32>
        %sub3A_509 = arith.subf %sub3A_498, %mul3A_284 : vector<16xf32>
        %mul3A_510 = arith.constant 2.621440e+05 : f32
        %mul3A_511 = vector.broadcast %mul3A_510 : f32 to vector<16xf32>
        %mul3A_512 = arith.mulf %sub3A_509, %mul3A_511 : vector<16xf32>
        %jit3A_513 = arith.constant 0.000000e+00 : f32
        %jit3A_514 = arith.constant 1.023000e+03 : f32
        %max3A_515 = vector.broadcast %jit3A_513 : f32 to vector<16xf32>
        %max3A_516 = arith.maximumf %max3A_515, %mul3A_512 : vector<16xf32>
        %min3A_517 = vector.broadcast %jit3A_514 : f32 to vector<16xf32>
        %min3A_518 = arith.minimumf %min3A_517, %max3A_516 : vector<16xf32>
        %convert_element_type3A_519 = arith.fptosi %min3A_518 : vector<16xf32> to vector<16xi32>
        tpu.vector_store_idx %arg6[%convert_element_type3A_519], %exp3A_500 masked %eq3A_508 {add = true} : memref<1024xf32, #tpu.memory_space<vmem>>[vector<16xi32>], vector<16xf32>, vector<16xi1>
        %mul3A_520 = arith.constant 5 : i32
        %mul3A_521 = arith.muli %scan3A_433, %mul3A_520 : i32
        %add3A_522 = arith.constant 3 : i32
        %add3A_523 = arith.addi %mul3A_521, %add3A_522 : i32
        %mul3A_524 = arith.constant 16 : i32
        %mul3A_525 = arith.muli %add3A_523, %mul3A_524 : i32
        %get3A_526 = arith.index_cast %mul3A_525 : i32 to index
        %get3A_527 = tpu.vector_load %arg4[%get3A_526] {strides = array<i32>} : memref<100000xf32, #tpu.memory_space<vmem>>, vector<16xf32>,
        %sub3A_528 = arith.subf %max3A_78, %get3A_527 : vector<16xf32>
        %sub3A_529 = arith.subf %get3A_527, %max3A_78 : vector<16xf32>
        %exp3A_530 = math.exp %sub3A_529 : vector<16xf32>
        %mul3A_531 = arith.constant 2.560000e+02 : f32
        %mul3A_532 = vector.broadcast %mul3A_531 : f32 to vector<16xf32>
        %mul3A_533 = arith.mulf %sub3A_528, %mul3A_532 : vector<16xf32>
        %min3A_534 = arith.constant 4.095000e+03 : f32
        %min3A_535 = vector.broadcast %min3A_534 : f32 to vector<16xf32>
        %min3A_536 = arith.minimumf %mul3A_533, %min3A_535 : vector<16xf32>
        %convert_element_type3A_537 = arith.fptosi %min3A_536 : vector<16xf32> to vector<16xi32>
        %eq3A_538 = arith.cmpi eq, %convert_element_type3A_537, %min3A_224 : vector<16xi32>
        %sub3A_539 = arith.subf %sub3A_528, %mul3A_284 : vector<16xf32>
        %mul3A_540 = arith.constant 2.621440e+05 : f32
        %mul3A_541 = vector.broadcast %mul3A_540 : f32 to vector<16xf32>
        %mul3A_542 = arith.mulf %sub3A_539, %mul3A_541 : vector<16xf32>
        %jit3A_543 = arith.constant 0.000000e+00 : f32
        %jit3A_544 = arith.constant 1.023000e+03 : f32
        %max3A_545 = vector.broadcast %jit3A_543 : f32 to vector<16xf32>
        %max3A_546 = arith.maximumf %max3A_545, %mul3A_542 : vector<16xf32>
        %min3A_547 = vector.broadcast %jit3A_544 : f32 to vector<16xf32>
        %min3A_548 = arith.minimumf %min3A_547, %max3A_546 : vector<16xf32>
        %convert_element_type3A_549 = arith.fptosi %min3A_548 : vector<16xf32> to vector<16xi32>
        tpu.vector_store_idx %arg6[%convert_element_type3A_549], %exp3A_530 masked %eq3A_538 {add = true} : memref<1024xf32, #tpu.memory_space<vmem>>[vector<16xi32>], vector<16xf32>, vector<16xi1>
        %mul3A_550 = arith.constant 5 : i32
        %mul3A_551 = arith.muli %scan3A_433, %mul3A_550 : i32
        %add3A_552 = arith.constant 4 : i32
        %add3A_553 = arith.addi %mul3A_551, %add3A_552 : i32
        %mul3A_554 = arith.constant 16 : i32
        %mul3A_555 = arith.muli %add3A_553, %mul3A_554 : i32
        %get3A_556 = arith.index_cast %mul3A_555 : i32 to index
        %get3A_557 = tpu.vector_load %arg4[%get3A_556] {strides = array<i32>} : memref<100000xf32, #tpu.memory_space<vmem>>, vector<16xf32>,
        %sub3A_558 = arith.subf %max3A_78, %get3A_557 : vector<16xf32>
        %sub3A_559 = arith.subf %get3A_557, %max3A_78 : vector<16xf32>
        %exp3A_560 = math.exp %sub3A_559 : vector<16xf32>
        %mul3A_561 = arith.constant 2.560000e+02 : f32
        %mul3A_562 = vector.broadcast %mul3A_561 : f32 to vector<16xf32>
        %mul3A_563 = arith.mulf %sub3A_558, %mul3A_562 : vector<16xf32>
        %min3A_564 = arith.constant 4.095000e+03 : f32
        %min3A_565 = vector.broadcast %min3A_564 : f32 to vector<16xf32>
        %min3A_566 = arith.minimumf %mul3A_563, %min3A_565 : vector<16xf32>
        %convert_element_type3A_567 = arith.fptosi %min3A_566 : vector<16xf32> to vector<16xi32>
        %eq3A_568 = arith.cmpi eq, %convert_element_type3A_567, %min3A_224 : vector<16xi32>
        %sub3A_569 = arith.subf %sub3A_558, %mul3A_284 : vector<16xf32>
        %mul3A_570 = arith.constant 2.621440e+05 : f32
        %mul3A_571 = vector.broadcast %mul3A_570 : f32 to vector<16xf32>
        %mul3A_572 = arith.mulf %sub3A_569, %mul3A_571 : vector<16xf32>
        %jit3A_573 = arith.constant 0.000000e+00 : f32
        %jit3A_574 = arith.constant 1.023000e+03 : f32
        %max3A_575 = vector.broadcast %jit3A_573 : f32 to vector<16xf32>
        %max3A_576 = arith.maximumf %max3A_575, %mul3A_572 : vector<16xf32>
        %min3A_577 = vector.broadcast %jit3A_574 : f32 to vector<16xf32>
        %min3A_578 = arith.minimumf %min3A_577, %max3A_576 : vector<16xf32>
        %convert_element_type3A_579 = arith.fptosi %min3A_578 : vector<16xf32> to vector<16xi32>
        tpu.vector_store_idx %arg6[%convert_element_type3A_579], %exp3A_560 masked %eq3A_568 {add = true} : memref<1024xf32, #tpu.memory_space<vmem>>[vector<16xi32>], vector<16xf32>, vector<16xi1>
      }
      %scan3A_296 = arith.constant 1250 : i32
      %sub3A = arith.subf %mul3A_159, %add3A_281 : vector<16xf32>
      %scan3A_297 = arith.constant 0 : i32
      %scan3A_298 = arith.constant 64 : i32
      %scan3A_299 = arith.addi %scan3A_297, %scan3A_298 : i32
      %scan3A_300 = arith.constant 1 : i32
      %scan3A_301:3 = scf.for %scan3A_433 = %scan3A_297 to %scan3A_299 step %scan3A_300 iter_args(%scan3A_434 = %broadcast_in_dim3A_1, %scan3A_435 = %broadcast_in_dim3A_5, %scan3A_436 = %broadcast_in_dim3A_1) -> (vector<16xf32>, vector<16xi32>, vector<16xf32>)  : i32 {
        %mul3A_437 = arith.constant 16 : i32
        %mul3A_438 = arith.muli %scan3A_433, %mul3A_437 : i32
        %get3A = arith.index_cast %mul3A_438 : i32 to index
        %get3A_439 = tpu.vector_load %arg6[%get3A] {strides = array<i32>} : memref<1024xf32, #tpu.memory_space<vmem>>, vector<16xf32>,
        %broadcast_in_dim3A_440 = arith.constant true
        %broadcast_in_dim3A_441 = vector.broadcast %broadcast_in_dim3A_440 : i1 to vector<16xi1>
        %masked_cumsum3A = tpu.scan <sum>, %get3A_439 masked %broadcast_in_dim3A_441 : vector<16xf32>, vector<16xi1> -> vector<16xf32>
        %add3A_442 = arith.addf %masked_cumsum3A, %scan3A_434 : vector<16xf32>
        %lt3A_443 = arith.cmpf olt, %add3A_442, %sub3A : vector<16xf32>
        %select_n3A_444 = arith.select %lt3A_443, %broadcast_in_dim3A_7, %broadcast_in_dim3A_5 : vector<16xi1>, vector<16xi32>
        %add3A_445 = arith.addi %scan3A_435, %select_n3A_444 : vector<16xi32>
        %sub3A_446 = arith.subf %add3A_442, %get3A_439 : vector<16xf32>
        %lt3A_447 = arith.cmpf olt, %sub3A_446, %sub3A : vector<16xf32>
        %select_n3A_448 = arith.select %lt3A_447, %get3A_439, %broadcast_in_dim3A_1 : vector<16xi1>, vector<16xf32>
        %add3A_449 = arith.addf %scan3A_436, %select_n3A_448 : vector<16xf32>
        %iota3A_450 = tpu.iota {dimensions = array<i32: 0>} : vector<16xi32>
        %xor3A_451 = arith.constant 8 : i32
        %xor3A_452 = vector.broadcast %xor3A_451 : i32 to vector<16xi32>
        %xor3A_453 = arith.xori %iota3A_450, %xor3A_452 : vector<16xi32>
        %lt3A_454 = arith.constant 0 : i32
        %lt3A_455 = vector.broadcast %lt3A_454 : i32 to vector<16xi32>
        %lt3A_456 = arith.cmpi slt, %xor3A_453, %lt3A_455 : vector<16xi32>
        %add3A_457 = arith.constant 16 : i32
        %add3A_458 = vector.broadcast %add3A_457 : i32 to vector<16xi32>
        %add3A_459 = arith.addi %xor3A_453, %add3A_458 : vector<16xi32>
        %select_n3A_460 = arith.select %lt3A_456, %add3A_459, %xor3A_453 : vector<16xi1>, vector<16xi32>
        %broadcast_in_dim3A_461 = vector.shape_cast %select_n3A_460 : vector<16xi32> to vector<16x1xi32>
        %gather3A_462 = vector.shape_cast %broadcast_in_dim3A_461 : vector<16x1xi32> to vector<16xi32>
        %gather3A_463 = tpu.dynamic_gather %get3A_439[%gather3A_462] in [0] : vector<16xf32>, vector<16xi32> -> vector<16xf32>
        %add3A_464 = arith.addf %get3A_439, %gather3A_463 : vector<16xf32>
        %xor3A_465 = arith.constant 4 : i32
        %xor3A_466 = vector.broadcast %xor3A_465 : i32 to vector<16xi32>
        %xor3A_467 = arith.xori %iota3A_450, %xor3A_466 : vector<16xi32>
        %lt3A_468 = arith.constant 0 : i32
        %lt3A_469 = vector.broadcast %lt3A_468 : i32 to vector<16xi32>
        %lt3A_470 = arith.cmpi slt, %xor3A_467, %lt3A_469 : vector<16xi32>
        %add3A_471 = arith.constant 16 : i32
        %add3A_472 = vector.broadcast %add3A_471 : i32 to vector<16xi32>
        %add3A_473 = arith.addi %xor3A_467, %add3A_472 : vector<16xi32>
        %select_n3A_474 = arith.select %lt3A_470, %add3A_473, %xor3A_467 : vector<16xi1>, vector<16xi32>
        %broadcast_in_dim3A_475 = vector.shape_cast %select_n3A_474 : vector<16xi32> to vector<16x1xi32>
        %gather3A_476 = vector.shape_cast %broadcast_in_dim3A_475 : vector<16x1xi32> to vector<16xi32>
        %gather3A_477 = tpu.dynamic_gather %add3A_464[%gather3A_476] in [0] : vector<16xf32>, vector<16xi32> -> vector<16xf32>
        %add3A_478 = arith.addf %add3A_464, %gather3A_477 : vector<16xf32>
        %xor3A_479 = arith.constant 2 : i32
        %xor3A_480 = vector.broadcast %xor3A_479 : i32 to vector<16xi32>
        %xor3A_481 = arith.xori %iota3A_450, %xor3A_480 : vector<16xi32>
        %lt3A_482 = arith.constant 0 : i32
        %lt3A_483 = vector.broadcast %lt3A_482 : i32 to vector<16xi32>
        %lt3A_484 = arith.cmpi slt, %xor3A_481, %lt3A_483 : vector<16xi32>
        %add3A_485 = arith.constant 16 : i32
        %add3A_486 = vector.broadcast %add3A_485 : i32 to vector<16xi32>
        %add3A_487 = arith.addi %xor3A_481, %add3A_486 : vector<16xi32>
        %select_n3A_488 = arith.select %lt3A_484, %add3A_487, %xor3A_481 : vector<16xi1>, vector<16xi32>
        %broadcast_in_dim3A_489 = vector.shape_cast %select_n3A_488 : vector<16xi32> to vector<16x1xi32>
        %gather3A_490 = vector.shape_cast %broadcast_in_dim3A_489 : vector<16x1xi32> to vector<16xi32>
        %gather3A_491 = tpu.dynamic_gather %add3A_478[%gather3A_490] in [0] : vector<16xf32>, vector<16xi32> -> vector<16xf32>
        %add3A_492 = arith.addf %add3A_478, %gather3A_491 : vector<16xf32>
        %xor3A_493 = arith.constant 1 : i32
        %xor3A_494 = vector.broadcast %xor3A_493 : i32 to vector<16xi32>
        %xor3A_495 = arith.xori %iota3A_450, %xor3A_494 : vector<16xi32>
        %lt3A_496 = arith.constant 0 : i32
        %lt3A_497 = vector.broadcast %lt3A_496 : i32 to vector<16xi32>
        %lt3A_498 = arith.cmpi slt, %xor3A_495, %lt3A_497 : vector<16xi32>
        %add3A_499 = arith.constant 16 : i32
        %add3A_500 = vector.broadcast %add3A_499 : i32 to vector<16xi32>
        %add3A_501 = arith.addi %xor3A_495, %add3A_500 : vector<16xi32>
        %select_n3A_502 = arith.select %lt3A_498, %add3A_501, %xor3A_495 : vector<16xi1>, vector<16xi32>
        %broadcast_in_dim3A_503 = vector.shape_cast %select_n3A_502 : vector<16xi32> to vector<16x1xi32>
        %gather3A_504 = vector.shape_cast %broadcast_in_dim3A_503 : vector<16x1xi32> to vector<16xi32>
        %gather3A_505 = tpu.dynamic_gather %add3A_492[%gather3A_504] in [0] : vector<16xf32>, vector<16xi32> -> vector<16xf32>
        %add3A_506 = arith.addf %add3A_492, %gather3A_505 : vector<16xf32>
        %add3A_507 = arith.addf %scan3A_434, %add3A_506 : vector<16xf32>
        scf.yield %add3A_507, %add3A_445, %add3A_449 : vector<16xf32>, vector<16xi32>, vector<16xf32>
      }
      %scan3A_302 = arith.constant 64 : i32
      %iota3A_303 = tpu.iota {dimensions = array<i32: 0>} : vector<16xi32>
      %xor3A_304 = arith.constant 8 : i32
      %xor3A_305 = vector.broadcast %xor3A_304 : i32 to vector<16xi32>
      %xor3A_306 = arith.xori %iota3A_303, %xor3A_305 : vector<16xi32>
      %lt3A_307 = arith.constant 0 : i32
      %lt3A_308 = vector.broadcast %lt3A_307 : i32 to vector<16xi32>
      %lt3A_309 = arith.cmpi slt, %xor3A_306, %lt3A_308 : vector<16xi32>
      %add3A_310 = arith.constant 16 : i32
      %add3A_311 = vector.broadcast %add3A_310 : i32 to vector<16xi32>
      %add3A_312 = arith.addi %xor3A_306, %add3A_311 : vector<16xi32>
      %select_n3A_313 = arith.select %lt3A_309, %add3A_312, %xor3A_306 : vector<16xi1>, vector<16xi32>
      %broadcast_in_dim3A_314 = vector.shape_cast %select_n3A_313 : vector<16xi32> to vector<16x1xi32>
      %gather3A_315 = vector.shape_cast %broadcast_in_dim3A_314 : vector<16x1xi32> to vector<16xi32>
      %gather3A_316 = tpu.dynamic_gather %scan3A_301#1[%gather3A_315] in [0] : vector<16xi32>, vector<16xi32> -> vector<16xi32>
      %add3A_317 = arith.addi %scan3A_301#1, %gather3A_316 : vector<16xi32>
      %xor3A_318 = arith.constant 4 : i32
      %xor3A_319 = vector.broadcast %xor3A_318 : i32 to vector<16xi32>
      %xor3A_320 = arith.xori %iota3A_303, %xor3A_319 : vector<16xi32>
      %lt3A_321 = arith.constant 0 : i32
      %lt3A_322 = vector.broadcast %lt3A_321 : i32 to vector<16xi32>
      %lt3A_323 = arith.cmpi slt, %xor3A_320, %lt3A_322 : vector<16xi32>
      %add3A_324 = arith.constant 16 : i32
      %add3A_325 = vector.broadcast %add3A_324 : i32 to vector<16xi32>
      %add3A_326 = arith.addi %xor3A_320, %add3A_325 : vector<16xi32>
      %select_n3A_327 = arith.select %lt3A_323, %add3A_326, %xor3A_320 : vector<16xi1>, vector<16xi32>
      %broadcast_in_dim3A_328 = vector.shape_cast %select_n3A_327 : vector<16xi32> to vector<16x1xi32>
      %gather3A_329 = vector.shape_cast %broadcast_in_dim3A_328 : vector<16x1xi32> to vector<16xi32>
      %gather3A_330 = tpu.dynamic_gather %add3A_317[%gather3A_329] in [0] : vector<16xi32>, vector<16xi32> -> vector<16xi32>
      %add3A_331 = arith.addi %add3A_317, %gather3A_330 : vector<16xi32>
      %xor3A_332 = arith.constant 2 : i32
      %xor3A_333 = vector.broadcast %xor3A_332 : i32 to vector<16xi32>
      %xor3A_334 = arith.xori %iota3A_303, %xor3A_333 : vector<16xi32>
      %lt3A_335 = arith.constant 0 : i32
      %lt3A_336 = vector.broadcast %lt3A_335 : i32 to vector<16xi32>
      %lt3A_337 = arith.cmpi slt, %xor3A_334, %lt3A_336 : vector<16xi32>
      %add3A_338 = arith.constant 16 : i32
      %add3A_339 = vector.broadcast %add3A_338 : i32 to vector<16xi32>
      %add3A_340 = arith.addi %xor3A_334, %add3A_339 : vector<16xi32>
      %select_n3A_341 = arith.select %lt3A_337, %add3A_340, %xor3A_334 : vector<16xi1>, vector<16xi32>
      %broadcast_in_dim3A_342 = vector.shape_cast %select_n3A_341 : vector<16xi32> to vector<16x1xi32>
      %gather3A_343 = vector.shape_cast %broadcast_in_dim3A_342 : vector<16x1xi32> to vector<16xi32>
      %gather3A_344 = tpu.dynamic_gather %add3A_331[%gather3A_343] in [0] : vector<16xi32>, vector<16xi32> -> vector<16xi32>
      %add3A_345 = arith.addi %add3A_331, %gather3A_344 : vector<16xi32>
      %xor3A_346 = arith.constant 1 : i32
      %xor3A_347 = vector.broadcast %xor3A_346 : i32 to vector<16xi32>
      %xor3A_348 = arith.xori %iota3A_303, %xor3A_347 : vector<16xi32>
      %lt3A_349 = arith.constant 0 : i32
      %lt3A_350 = vector.broadcast %lt3A_349 : i32 to vector<16xi32>
      %lt3A_351 = arith.cmpi slt, %xor3A_348, %lt3A_350 : vector<16xi32>
      %add3A_352 = arith.constant 16 : i32
      %add3A_353 = vector.broadcast %add3A_352 : i32 to vector<16xi32>
      %add3A_354 = arith.addi %xor3A_348, %add3A_353 : vector<16xi32>
      %select_n3A_355 = arith.select %lt3A_351, %add3A_354, %xor3A_348 : vector<16xi1>, vector<16xi32>
      %broadcast_in_dim3A_356 = vector.shape_cast %select_n3A_355 : vector<16xi32> to vector<16x1xi32>
      %gather3A_357 = vector.shape_cast %broadcast_in_dim3A_356 : vector<16x1xi32> to vector<16xi32>
      %gather3A_358 = tpu.dynamic_gather %add3A_345[%gather3A_357] in [0] : vector<16xi32>, vector<16xi32> -> vector<16xi32>
      %add3A_359 = arith.addi %add3A_345, %gather3A_358 : vector<16xi32>
      %add3A_360 = arith.constant 1 : i32
      %add3A_361 = vector.broadcast %add3A_360 : i32 to vector<16xi32>
      %add3A_362 = arith.addi %add3A_359, %add3A_361 : vector<16xi32>
      %convert_element_type3A_363 = arith.sitofp %add3A_362 : vector<16xi32> to vector<16xf32>
      %mul3A_364 = arith.constant 3.81469727E-6 : f32
      %mul3A_365 = vector.broadcast %mul3A_364 : f32 to vector<16xf32>
      %mul3A_366 = arith.mulf %convert_element_type3A_363, %mul3A_365 : vector<16xf32>
      %add3A_367 = arith.addf %mul3A_284, %mul3A_366 : vector<16xf32>
      %iota3A_368 = tpu.iota {dimensions = array<i32: 0>} : vector<16xi32>
      %xor3A_369 = arith.constant 8 : i32
      %xor3A_370 = vector.broadcast %xor3A_369 : i32 to vector<16xi32>
      %xor3A_371 = arith.xori %iota3A_368, %xor3A_370 : vector<16xi32>
      %lt3A_372 = arith.constant 0 : i32
      %lt3A_373 = vector.broadcast %lt3A_372 : i32 to vector<16xi32>
      %lt3A_374 = arith.cmpi slt, %xor3A_371, %lt3A_373 : vector<16xi32>
      %add3A_375 = arith.constant 16 : i32
      %add3A_376 = vector.broadcast %add3A_375 : i32 to vector<16xi32>
      %add3A_377 = arith.addi %xor3A_371, %add3A_376 : vector<16xi32>
      %select_n3A_378 = arith.select %lt3A_374, %add3A_377, %xor3A_371 : vector<16xi1>, vector<16xi32>
      %broadcast_in_dim3A_379 = vector.shape_cast %select_n3A_378 : vector<16xi32> to vector<16x1xi32>
      %gather3A_380 = vector.shape_cast %broadcast_in_dim3A_379 : vector<16x1xi32> to vector<16xi32>
      %gather3A_381 = tpu.dynamic_gather %scan3A_301#2[%gather3A_380] in [0] : vector<16xf32>, vector<16xi32> -> vector<16xf32>
      %add3A_382 = arith.addf %scan3A_301#2, %gather3A_381 : vector<16xf32>
      %xor3A_383 = arith.constant 4 : i32
      %xor3A_384 = vector.broadcast %xor3A_383 : i32 to vector<16xi32>
      %xor3A_385 = arith.xori %iota3A_368, %xor3A_384 : vector<16xi32>
      %lt3A_386 = arith.constant 0 : i32
      %lt3A_387 = vector.broadcast %lt3A_386 : i32 to vector<16xi32>
      %lt3A_388 = arith.cmpi slt, %xor3A_385, %lt3A_387 : vector<16xi32>
      %add3A_389 = arith.constant 16 : i32
      %add3A_390 = vector.broadcast %add3A_389 : i32 to vector<16xi32>
      %add3A_391 = arith.addi %xor3A_385, %add3A_390 : vector<16xi32>
      %select_n3A_392 = arith.select %lt3A_388, %add3A_391, %xor3A_385 : vector<16xi1>, vector<16xi32>
      %broadcast_in_dim3A_393 = vector.shape_cast %select_n3A_392 : vector<16xi32> to vector<16x1xi32>
      %gather3A_394 = vector.shape_cast %broadcast_in_dim3A_393 : vector<16x1xi32> to vector<16xi32>
      %gather3A_395 = tpu.dynamic_gather %add3A_382[%gather3A_394] in [0] : vector<16xf32>, vector<16xi32> -> vector<16xf32>
      %add3A_396 = arith.addf %add3A_382, %gather3A_395 : vector<16xf32>
      %xor3A_397 = arith.constant 2 : i32
      %xor3A_398 = vector.broadcast %xor3A_397 : i32 to vector<16xi32>
      %xor3A_399 = arith.xori %iota3A_368, %xor3A_398 : vector<16xi32>
      %lt3A_400 = arith.constant 0 : i32
      %lt3A_401 = vector.broadcast %lt3A_400 : i32 to vector<16xi32>
      %lt3A_402 = arith.cmpi slt, %xor3A_399, %lt3A_401 : vector<16xi32>
      %add3A_403 = arith.constant 16 : i32
      %add3A_404 = vector.broadcast %add3A_403 : i32 to vector<16xi32>
      %add3A_405 = arith.addi %xor3A_399, %add3A_404 : vector<16xi32>
      %select_n3A_406 = arith.select %lt3A_402, %add3A_405, %xor3A_399 : vector<16xi1>, vector<16xi32>
      %broadcast_in_dim3A_407 = vector.shape_cast %select_n3A_406 : vector<16xi32> to vector<16x1xi32>
      %gather3A_408 = vector.shape_cast %broadcast_in_dim3A_407 : vector<16x1xi32> to vector<16xi32>
      %gather3A_409 = tpu.dynamic_gather %add3A_396[%gather3A_408] in [0] : vector<16xf32>, vector<16xi32> -> vector<16xf32>
      %add3A_410 = arith.addf %add3A_396, %gather3A_409 : vector<16xf32>
      %xor3A_411 = arith.constant 1 : i32
      %xor3A_412 = vector.broadcast %xor3A_411 : i32 to vector<16xi32>
      %xor3A_413 = arith.xori %iota3A_368, %xor3A_412 : vector<16xi32>
      %lt3A_414 = arith.constant 0 : i32
      %lt3A_415 = vector.broadcast %lt3A_414 : i32 to vector<16xi32>
      %lt3A_416 = arith.cmpi slt, %xor3A_413, %lt3A_415 : vector<16xi32>
      %add3A_417 = arith.constant 16 : i32
      %add3A_418 = vector.broadcast %add3A_417 : i32 to vector<16xi32>
      %add3A_419 = arith.addi %xor3A_413, %add3A_418 : vector<16xi32>
      %select_n3A_420 = arith.select %lt3A_416, %add3A_419, %xor3A_413 : vector<16xi1>, vector<16xi32>
      %broadcast_in_dim3A_421 = vector.shape_cast %select_n3A_420 : vector<16xi32> to vector<16x1xi32>
      %gather3A_422 = vector.shape_cast %broadcast_in_dim3A_421 : vector<16x1xi32> to vector<16xi32>
      %gather3A_423 = tpu.dynamic_gather %add3A_410[%gather3A_422] in [0] : vector<16xf32>, vector<16xi32> -> vector<16xf32>
      %add3A_424 = arith.addf %add3A_410, %gather3A_423 : vector<16xf32>
      %add3A_425 = arith.addf %add3A_281, %add3A_424 : vector<16xf32>
      %add3A_426 = arith.addf %broadcast_in_dim3A_1, %add3A_425 : vector<16xf32>
      %div3A = arith.divf %broadcast_in_dim3A_3, %add3A_426 : vector<16xf32>
      %scan3A_427 = arith.constant 0 : i32
      %scan3A_428 = arith.constant 0 : i32
      %scan3A_429 = arith.constant 625 : i32
      %scan3A_430 = arith.addi %scan3A_428, %scan3A_429 : i32
      %scan3A_431 = arith.constant 1 : i32
      scf.for %scan3A_433 = %scan3A_428 to %scan3A_430 step %scan3A_431  : i32 {
        %mul3A_434 = arith.constant 10 : i32
        %mul3A_435 = arith.muli %scan3A_433, %mul3A_434 : i32
        %add3A_436 = arith.constant 0 : i32
        %add3A_437 = arith.addi %mul3A_435, %add3A_436 : i32
        %mul3A_438 = arith.constant 16 : i32
        %mul3A_439 = arith.muli %add3A_437, %mul3A_438 : i32
        %get3A = arith.index_cast %mul3A_439 : i32 to index
        %get3A_440 = tpu.vector_load %arg4[%get3A] {strides = array<i32>} : memref<100000xf32, #tpu.memory_space<vmem>>, vector<16xf32>,
        %sub3A_441 = arith.subf %max3A_78, %get3A_440 : vector<16xf32>
        %sub3A_442 = arith.subf %get3A_440, %max3A_78 : vector<16xf32>
        %exp3A = math.exp %sub3A_442 : vector<16xf32>
        %lt3A_443 = arith.cmpf olt, %sub3A_441, %add3A_367 : vector<16xf32>
        %mul3A_444 = arith.mulf %exp3A, %div3A : vector<16xf32>
        %select_n3A_445 = arith.select %lt3A_443, %mul3A_444, %broadcast_in_dim3A_1 : vector<16xi1>, vector<16xf32>
        %swap3A = arith.index_cast %mul3A_439 : i32 to index
        %swap3A_446 = tpu.vector_load %arg4[%swap3A] {strides = array<i32>} : memref<100000xf32, #tpu.memory_space<vmem>>, vector<16xf32>,
        tpu.vector_store %arg4[%swap3A], %select_n3A_445 {strides = array<i32>} : memref<100000xf32, #tpu.memory_space<vmem>>, vector<16xf32>,
        %mul3A_447 = arith.constant 10 : i32
        %mul3A_448 = arith.muli %scan3A_433, %mul3A_447 : i32
        %add3A_449 = arith.constant 1 : i32
        %add3A_450 = arith.addi %mul3A_448, %add3A_449 : i32
        %mul3A_451 = arith.constant 16 : i32
        %mul3A_452 = arith.muli %add3A_450, %mul3A_451 : i32
        %get3A_453 = arith.index_cast %mul3A_452 : i32 to index
        %get3A_454 = tpu.vector_load %arg4[%get3A_453] {strides = array<i32>} : memref<100000xf32, #tpu.memory_space<vmem>>, vector<16xf32>,
        %sub3A_455 = arith.subf %max3A_78, %get3A_454 : vector<16xf32>
        %sub3A_456 = arith.subf %get3A_454, %max3A_78 : vector<16xf32>
        %exp3A_457 = math.exp %sub3A_456 : vector<16xf32>
        %lt3A_458 = arith.cmpf olt, %sub3A_455, %add3A_367 : vector<16xf32>
        %mul3A_459 = arith.mulf %exp3A_457, %div3A : vector<16xf32>
        %select_n3A_460 = arith.select %lt3A_458, %mul3A_459, %broadcast_in_dim3A_1 : vector<16xi1>, vector<16xf32>
        %swap3A_461 = arith.index_cast %mul3A_452 : i32 to index
        %swap3A_462 = tpu.vector_load %arg4[%swap3A_461] {strides = array<i32>} : memref<100000xf32, #tpu.memory_space<vmem>>, vector<16xf32>,
        tpu.vector_store %arg4[%swap3A_461], %select_n3A_460 {strides = array<i32>} : memref<100000xf32, #tpu.memory_space<vmem>>, vector<16xf32>,
        %mul3A_463 = arith.constant 10 : i32
        %mul3A_464 = arith.muli %scan3A_433, %mul3A_463 : i32
        %add3A_465 = arith.constant 2 : i32
        %add3A_466 = arith.addi %mul3A_464, %add3A_465 : i32
        %mul3A_467 = arith.constant 16 : i32
        %mul3A_468 = arith.muli %add3A_466, %mul3A_467 : i32
        %get3A_469 = arith.index_cast %mul3A_468 : i32 to index
        %get3A_470 = tpu.vector_load %arg4[%get3A_469] {strides = array<i32>} : memref<100000xf32, #tpu.memory_space<vmem>>, vector<16xf32>,
        %sub3A_471 = arith.subf %max3A_78, %get3A_470 : vector<16xf32>
        %sub3A_472 = arith.subf %get3A_470, %max3A_78 : vector<16xf32>
        %exp3A_473 = math.exp %sub3A_472 : vector<16xf32>
        %lt3A_474 = arith.cmpf olt, %sub3A_471, %add3A_367 : vector<16xf32>
        %mul3A_475 = arith.mulf %exp3A_473, %div3A : vector<16xf32>
        %select_n3A_476 = arith.select %lt3A_474, %mul3A_475, %broadcast_in_dim3A_1 : vector<16xi1>, vector<16xf32>
        %swap3A_477 = arith.index_cast %mul3A_468 : i32 to index
        %swap3A_478 = tpu.vector_load %arg4[%swap3A_477] {strides = array<i32>} : memref<100000xf32, #tpu.memory_space<vmem>>, vector<16xf32>,
        tpu.vector_store %arg4[%swap3A_477], %select_n3A_476 {strides = array<i32>} : memref<100000xf32, #tpu.memory_space<vmem>>, vector<16xf32>,
        %mul3A_479 = arith.constant 10 : i32
        %mul3A_480 = arith.muli %scan3A_433, %mul3A_479 : i32
        %add3A_481 = arith.constant 3 : i32
        %add3A_482 = arith.addi %mul3A_480, %add3A_481 : i32
        %mul3A_483 = arith.constant 16 : i32
        %mul3A_484 = arith.muli %add3A_482, %mul3A_483 : i32
        %get3A_485 = arith.index_cast %mul3A_484 : i32 to index
        %get3A_486 = tpu.vector_load %arg4[%get3A_485] {strides = array<i32>} : memref<100000xf32, #tpu.memory_space<vmem>>, vector<16xf32>,
        %sub3A_487 = arith.subf %max3A_78, %get3A_486 : vector<16xf32>
        %sub3A_488 = arith.subf %get3A_486, %max3A_78 : vector<16xf32>
        %exp3A_489 = math.exp %sub3A_488 : vector<16xf32>
        %lt3A_490 = arith.cmpf olt, %sub3A_487, %add3A_367 : vector<16xf32>
        %mul3A_491 = arith.mulf %exp3A_489, %div3A : vector<16xf32>
        %select_n3A_492 = arith.select %lt3A_490, %mul3A_491, %broadcast_in_dim3A_1 : vector<16xi1>, vector<16xf32>
        %swap3A_493 = arith.index_cast %mul3A_484 : i32 to index
        %swap3A_494 = tpu.vector_load %arg4[%swap3A_493] {strides = array<i32>} : memref<100000xf32, #tpu.memory_space<vmem>>, vector<16xf32>,
        tpu.vector_store %arg4[%swap3A_493], %select_n3A_492 {strides = array<i32>} : memref<100000xf32, #tpu.memory_space<vmem>>, vector<16xf32>,
        %mul3A_495 = arith.constant 10 : i32
        %mul3A_496 = arith.muli %scan3A_433, %mul3A_495 : i32
        %add3A_497 = arith.constant 4 : i32
        %add3A_498 = arith.addi %mul3A_496, %add3A_497 : i32
        %mul3A_499 = arith.constant 16 : i32
        %mul3A_500 = arith.muli %add3A_498, %mul3A_499 : i32
        %get3A_501 = arith.index_cast %mul3A_500 : i32 to index
        %get3A_502 = tpu.vector_load %arg4[%get3A_501] {strides = array<i32>} : memref<100000xf32, #tpu.memory_space<vmem>>, vector<16xf32>,
        %sub3A_503 = arith.subf %max3A_78, %get3A_502 : vector<16xf32>
        %sub3A_504 = arith.subf %get3A_502, %max3A_78 : vector<16xf32>
        %exp3A_505 = math.exp %sub3A_504 : vector<16xf32>
        %lt3A_506 = arith.cmpf olt, %sub3A_503, %add3A_367 : vector<16xf32>
        %mul3A_507 = arith.mulf %exp3A_505, %div3A : vector<16xf32>
        %select_n3A_508 = arith.select %lt3A_506, %mul3A_507, %broadcast_in_dim3A_1 : vector<16xi1>, vector<16xf32>
        %swap3A_509 = arith.index_cast %mul3A_500 : i32 to index
        %swap3A_510 = tpu.vector_load %arg4[%swap3A_509] {strides = array<i32>} : memref<100000xf32, #tpu.memory_space<vmem>>, vector<16xf32>,
        tpu.vector_store %arg4[%swap3A_509], %select_n3A_508 {strides = array<i32>} : memref<100000xf32, #tpu.memory_space<vmem>>, vector<16xf32>,
        %mul3A_511 = arith.constant 10 : i32
        %mul3A_512 = arith.muli %scan3A_433, %mul3A_511 : i32
        %add3A_513 = arith.constant 5 : i32
        %add3A_514 = arith.addi %mul3A_512, %add3A_513 : i32
        %mul3A_515 = arith.constant 16 : i32
        %mul3A_516 = arith.muli %add3A_514, %mul3A_515 : i32
        %get3A_517 = arith.index_cast %mul3A_516 : i32 to index
        %get3A_518 = tpu.vector_load %arg4[%get3A_517] {strides = array<i32>} : memref<100000xf32, #tpu.memory_space<vmem>>, vector<16xf32>,
        %sub3A_519 = arith.subf %max3A_78, %get3A_518 : vector<16xf32>
        %sub3A_520 = arith.subf %get3A_518, %max3A_78 : vector<16xf32>
        %exp3A_521 = math.exp %sub3A_520 : vector<16xf32>
        %lt3A_522 = arith.cmpf olt, %sub3A_519, %add3A_367 : vector<16xf32>
        %mul3A_523 = arith.mulf %exp3A_521, %div3A : vector<16xf32>
        %select_n3A_524 = arith.select %lt3A_522, %mul3A_523, %broadcast_in_dim3A_1 : vector<16xi1>, vector<16xf32>
        %swap3A_525 = arith.index_cast %mul3A_516 : i32 to index
        %swap3A_526 = tpu.vector_load %arg4[%swap3A_525] {strides = array<i32>} : memref<100000xf32, #tpu.memory_space<vmem>>, vector<16xf32>,
        tpu.vector_store %arg4[%swap3A_525], %select_n3A_524 {strides = array<i32>} : memref<100000xf32, #tpu.memory_space<vmem>>, vector<16xf32>,
        %mul3A_527 = arith.constant 10 : i32
        %mul3A_528 = arith.muli %scan3A_433, %mul3A_527 : i32
        %add3A_529 = arith.constant 6 : i32
        %add3A_530 = arith.addi %mul3A_528, %add3A_529 : i32
        %mul3A_531 = arith.constant 16 : i32
        %mul3A_532 = arith.muli %add3A_530, %mul3A_531 : i32
        %get3A_533 = arith.index_cast %mul3A_532 : i32 to index
        %get3A_534 = tpu.vector_load %arg4[%get3A_533] {strides = array<i32>} : memref<100000xf32, #tpu.memory_space<vmem>>, vector<16xf32>,
        %sub3A_535 = arith.subf %max3A_78, %get3A_534 : vector<16xf32>
        %sub3A_536 = arith.subf %get3A_534, %max3A_78 : vector<16xf32>
        %exp3A_537 = math.exp %sub3A_536 : vector<16xf32>
        %lt3A_538 = arith.cmpf olt, %sub3A_535, %add3A_367 : vector<16xf32>
        %mul3A_539 = arith.mulf %exp3A_537, %div3A : vector<16xf32>
        %select_n3A_540 = arith.select %lt3A_538, %mul3A_539, %broadcast_in_dim3A_1 : vector<16xi1>, vector<16xf32>
        %swap3A_541 = arith.index_cast %mul3A_532 : i32 to index
        %swap3A_542 = tpu.vector_load %arg4[%swap3A_541] {strides = array<i32>} : memref<100000xf32, #tpu.memory_space<vmem>>, vector<16xf32>,
        tpu.vector_store %arg4[%swap3A_541], %select_n3A_540 {strides = array<i32>} : memref<100000xf32, #tpu.memory_space<vmem>>, vector<16xf32>,
        %mul3A_543 = arith.constant 10 : i32
        %mul3A_544 = arith.muli %scan3A_433, %mul3A_543 : i32
        %add3A_545 = arith.constant 7 : i32
        %add3A_546 = arith.addi %mul3A_544, %add3A_545 : i32
        %mul3A_547 = arith.constant 16 : i32
        %mul3A_548 = arith.muli %add3A_546, %mul3A_547 : i32
        %get3A_549 = arith.index_cast %mul3A_548 : i32 to index
        %get3A_550 = tpu.vector_load %arg4[%get3A_549] {strides = array<i32>} : memref<100000xf32, #tpu.memory_space<vmem>>, vector<16xf32>,
        %sub3A_551 = arith.subf %max3A_78, %get3A_550 : vector<16xf32>
        %sub3A_552 = arith.subf %get3A_550, %max3A_78 : vector<16xf32>
        %exp3A_553 = math.exp %sub3A_552 : vector<16xf32>
        %lt3A_554 = arith.cmpf olt, %sub3A_551, %add3A_367 : vector<16xf32>
        %mul3A_555 = arith.mulf %exp3A_553, %div3A : vector<16xf32>
        %select_n3A_556 = arith.select %lt3A_554, %mul3A_555, %broadcast_in_dim3A_1 : vector<16xi1>, vector<16xf32>
        %swap3A_557 = arith.index_cast %mul3A_548 : i32 to index
        %swap3A_558 = tpu.vector_load %arg4[%swap3A_557] {strides = array<i32>} : memref<100000xf32, #tpu.memory_space<vmem>>, vector<16xf32>,
        tpu.vector_store %arg4[%swap3A_557], %select_n3A_556 {strides = array<i32>} : memref<100000xf32, #tpu.memory_space<vmem>>, vector<16xf32>,
        %mul3A_559 = arith.constant 10 : i32
        %mul3A_560 = arith.muli %scan3A_433, %mul3A_559 : i32
        %add3A_561 = arith.constant 8 : i32
        %add3A_562 = arith.addi %mul3A_560, %add3A_561 : i32
        %mul3A_563 = arith.constant 16 : i32
        %mul3A_564 = arith.muli %add3A_562, %mul3A_563 : i32
        %get3A_565 = arith.index_cast %mul3A_564 : i32 to index
        %get3A_566 = tpu.vector_load %arg4[%get3A_565] {strides = array<i32>} : memref<100000xf32, #tpu.memory_space<vmem>>, vector<16xf32>,
        %sub3A_567 = arith.subf %max3A_78, %get3A_566 : vector<16xf32>
        %sub3A_568 = arith.subf %get3A_566, %max3A_78 : vector<16xf32>
        %exp3A_569 = math.exp %sub3A_568 : vector<16xf32>
        %lt3A_570 = arith.cmpf olt, %sub3A_567, %add3A_367 : vector<16xf32>
        %mul3A_571 = arith.mulf %exp3A_569, %div3A : vector<16xf32>
        %select_n3A_572 = arith.select %lt3A_570, %mul3A_571, %broadcast_in_dim3A_1 : vector<16xi1>, vector<16xf32>
        %swap3A_573 = arith.index_cast %mul3A_564 : i32 to index
        %swap3A_574 = tpu.vector_load %arg4[%swap3A_573] {strides = array<i32>} : memref<100000xf32, #tpu.memory_space<vmem>>, vector<16xf32>,
        tpu.vector_store %arg4[%swap3A_573], %select_n3A_572 {strides = array<i32>} : memref<100000xf32, #tpu.memory_space<vmem>>, vector<16xf32>,
        %mul3A_575 = arith.constant 10 : i32
        %mul3A_576 = arith.muli %scan3A_433, %mul3A_575 : i32
        %add3A_577 = arith.constant 9 : i32
        %add3A_578 = arith.addi %mul3A_576, %add3A_577 : i32
        %mul3A_579 = arith.constant 16 : i32
        %mul3A_580 = arith.muli %add3A_578, %mul3A_579 : i32
        %get3A_581 = arith.index_cast %mul3A_580 : i32 to index
        %get3A_582 = tpu.vector_load %arg4[%get3A_581] {strides = array<i32>} : memref<100000xf32, #tpu.memory_space<vmem>>, vector<16xf32>,
        %sub3A_583 = arith.subf %max3A_78, %get3A_582 : vector<16xf32>
        %sub3A_584 = arith.subf %get3A_582, %max3A_78 : vector<16xf32>
        %exp3A_585 = math.exp %sub3A_584 : vector<16xf32>
        %lt3A_586 = arith.cmpf olt, %sub3A_583, %add3A_367 : vector<16xf32>
        %mul3A_587 = arith.mulf %exp3A_585, %div3A : vector<16xf32>
        %select_n3A_588 = arith.select %lt3A_586, %mul3A_587, %broadcast_in_dim3A_1 : vector<16xi1>, vector<16xf32>
        %swap3A_589 = arith.index_cast %mul3A_580 : i32 to index
        %swap3A_590 = tpu.vector_load %arg4[%swap3A_589] {strides = array<i32>} : memref<100000xf32, #tpu.memory_space<vmem>>, vector<16xf32>,
        tpu.vector_store %arg4[%swap3A_589], %select_n3A_588 {strides = array<i32>} : memref<100000xf32, #tpu.memory_space<vmem>>, vector<16xf32>,
      }
      %scan3A_432 = arith.constant 625 : i32
      "tpu.region"() ({
        %run_scoped3A = tpu.sem_alloc : memref<!tpu.dma_semaphore, #tpu.memory_space<semaphore_mem>>
        %dma_start3A = arith.constant 0 : i32
        %dma_start3A_433 = tpu.memref_slice %arg3[%add3A_16, %dma_start3A] : memref<128x100000xf32, #tpu.memory_space<hbm>> -> memref<1x100000xf32, #tpu.memory_space<hbm>>
        %dma_start3A_434 = tpu.memref_squeeze %dma_start3A_433 : memref<1x100000xf32, #tpu.memory_space<hbm>> -> memref<100000xf32, #tpu.memory_space<hbm>>
        %dma_start3A_435 = arith.constant 0 : i32
        %dma_start3A_436 = tpu.memref_slice %arg3[%add3A_16, %dma_start3A_435] : memref<128x100000xf32, #tpu.memory_space<hbm>> -> memref<1x100000xf32, #tpu.memory_space<hbm>>
        %dma_start3A_437 = tpu.memref_squeeze %dma_start3A_436 : memref<1x100000xf32, #tpu.memory_space<hbm>> -> memref<100000xf32, #tpu.memory_space<hbm>>
        tpu.enqueue_dma source(%arg4 : memref<100000xf32, #tpu.memory_space<vmem>>) target(%dma_start3A_437 : memref<100000xf32, #tpu.memory_space<hbm>>) target_semaphore(%run_scoped3A : memref<!tpu.dma_semaphore, #tpu.memory_space<semaphore_mem>>)
        %dma_wait3A = arith.constant 0 : i32
        %dma_wait3A_438 = tpu.memref_slice %arg3[%add3A_16, %dma_wait3A] : memref<128x100000xf32, #tpu.memory_space<hbm>> -> memref<1x100000xf32, #tpu.memory_space<hbm>>
        %dma_wait3A_439 = tpu.memref_squeeze %dma_wait3A_438 : memref<1x100000xf32, #tpu.memory_space<hbm>> -> memref<100000xf32, #tpu.memory_space<hbm>>
        %dma_wait3A_440 = arith.constant 0 : i32
        %dma_wait3A_441 = tpu.memref_slice %arg3[%add3A_16, %dma_wait3A_440] : memref<128x100000xf32, #tpu.memory_space<hbm>> -> memref<1x100000xf32, #tpu.memory_space<hbm>>
        %dma_wait3A_442 = tpu.memref_squeeze %dma_wait3A_441 : memref<1x100000xf32, #tpu.memory_space<hbm>> -> memref<100000xf32, #tpu.memory_space<hbm>>
        tpu.wait_dma2 semaphore(%run_scoped3A : memref<!tpu.dma_semaphore, #tpu.memory_space<semaphore_mem>>) src(%arg4 : memref<100000xf32, #tpu.memory_space<vmem>>) dst(%dma_wait3A_442 : memref<100000xf32, #tpu.memory_space<hbm>>)
        tpu.yield
      }) : () -> ()
    }
    %scan3A_12 = arith.constant 4 : i32
    return
  }
}

</mosaic_0001>

<sc_bundles>
// kernel: _nucleus_sc.3.cloned.1.call-start
scs
__scs_entry_jumppad:
0x0: {  	(pc) =	sbr.rel $0x88, $3  }
0x1: {  	(tag) =	ssettag $0x0;
	lr =	simm.s32 $0x1  }
0x2: {  	[smem:$0x3FA0] =	sst lr;
	_ =	strace $0xD0000000  }
0x3: {  	_ = 	snop  }
0x4: {  	_ = 	snop  }
0x5: {  	_ = 	snop  }
0x6: {  	_ = 	snop  }
0x7: {  	_ = 	snop  }
__scs_overlays_trampoline_lowered:
0x8: {  	[smem:$0x3FAF] =	sst s0  }
0x9: {  	[smem:$0x3FB0] =	sst s1  }
0xa: {  	[smem:$0x3FB1] =	sst s2  }
0xb: {  	[smem:$0x3FB2] =	sst s3  }
0xc: {  	[smem:$0x3FB3] =	sst s4  }
0xd: {  	[smem:$0x3FB4] =	sst s5  }
0xe: {  	[smem:$0x3FB5] =	sst s6  }
0xf: {  	[smem:$0x3FB6] =	sst s7  }
0x10: {  	[smem:$0x3FB7] =	sst s8  }
0x11: {  	[smem:$0x3FB8] =	sst s9;
	s0 =	simm.s32 @!p0 $0x0  }
0x12: {  	s1 =	sld [smem:$0x3F9E];
	s0 =	simm.s32 @p0 $0x1  }
0x13: {  	[smem:$0x3FB9] =	sst s0;
	s0 =	simm.s32 @!p1 $0x0  }
0x14: {  	s2 =	sld [smem:$0x3F9D];
	s0 =	simm.s32 @p1 $0x1  }
0x15: {  	[smem:$0x3FBA] =	sst s0;
	s0 =	simm.s32 @!p2 $0x0  }
0x16: {  	s3 =	sld [smem:$0x3FDB];
	s0 =	simm.s32 @p2 $0x1  }
0x17: {  	s4 =	simm.s32 $0x1BF5;
	[smem:$0x3FBC] =	sst s0  }
0x18: {  	s0 =	sld [smem:$0x3F9F];
	_ =	swait.ge [sflag:s4], $0x0  }
0x19: {  	s7 =	sld [smem:$0x3FA0]  }
0x1a: {  	s8 =	sadd.s32 $0xFFFFE003, lr  }
0x1b: {  	s9 =	sadd.s32 $0xFFFFFEF7, lr;
	s5 =	simm.s32 $0xFFFFFFFF;
	p2 =	slt.u32 s8, $0xFFFFF086  }
0x1c: {  	p1 =	slt.u32 s9, $0xF7A;
	s5 =	simm.s32 @!p2 $0x0  }
0x1d: {  	s5 =	simm.s32 @p1 $0x1;
	p0 =	seq.s32 s7, s2  }
0x1e: {  	s7 =	smul.u32 @!p0 $0xF7A, s2;
	p2 =	seq.s32 @!p0 s5, $0x0  }
0x1f: {  	s9 =	smul.u32 $0xF7A, s1;
	s8 =	simm.s32 @!p0 $0x1BF5;
	p2 =	por !p2, p0  }
0x20: {  	[sflag:s8] =	ssyncset.s32 @!p0 $0xFFFFF086;
	s6 =	sadd.s32 @!p0 s3, s7;
	s7 =	simm.s32 @!p0 $0x108  }
0x21: {  	s3 =	sadd.s32 s3, s9;
	s6 =	sadd.s32 @!p0 $0x88, s6;
	s7 =	simm.s32 @p2 $0x1082  }
0x22: {  	[simem:s7], [sflag:s8] =	dma.local @!p0 [hbm:s6], $0xF7A  }
0x23: {  	s9 =	sor.u32 $0xD0000000, s2;
	s6 =	simm.s32 $0x108;
	_ =	swait.ge @!p0 [sflag:s8], $0x0  }
0x24: {  	s3 =	sadd.s32 $0x88, s3;
	s6 =	simm.s32 @!p1 $0x1082;
	[sflag:s4] =	ssyncset.s32 $0xFFFFF086  }
0x25: {  	[simem:s6], [sflag:s4] =	dma.local [hbm:s3], $0xF7A  }
0x26: {  	[smem:$0x3FA0] =	sst s1;
	(tag) =	ssettag s2;
	_ =	strace s9  }
0x27: {  	s1 =	sld [smem:$0x3FB0]  }
0x28: {  	s2 =	sld [smem:$0x3FB1]  }
0x29: {  	s4 =	sld [smem:$0x3FB3]  }
0x2a: {  	p0 =	seq.s32 s5, $0x0;
	s5 =	sld [smem:$0x3FB4]  }
0x2b: {  	s6 =	sld [smem:$0x3FB5]  }
0x2c: {  	s7 =	sld [smem:$0x3FB6]  }
0x2d: {  	s3 =	simm.s32 $0x108;
	s8 =	sld [smem:$0x3FB7]  }
0x2e: {  	s3 =	simm.s32 @!p0 $0x1082;
	s9 =	sld [smem:$0x3FB8]  }
0x2f: {  	lr =	sadd.s32 s0, s3;
	s0 =	sld [smem:$0x3FAF]  }
0x30: {  	s3 =	sld [smem:$0x3FB2]  }
0x31: {  	[smem:$0x3FBB] =	sst s10  }
0x32: {  	s10 =	sld [smem:$0x3FB9];
	_ =	sdelay $0x3  }
0x33: {  	p0 =	seq.s32 s10, $0x1;
	s10 =	sld [smem:$0x3FBB];
	_ =	sdelay $0x3  }
0x34: {  	[smem:$0x3FBB] =	sst s10  }
0x35: {  	s10 =	sld [smem:$0x3FBA];
	_ =	sdelay $0x3  }
0x36: {  	p1 =	seq.s32 s10, $0x1;
	s10 =	sld [smem:$0x3FBB];
	_ =	sdelay $0x3  }
0x37: {  	[smem:$0x3FBB] =	sst s10  }
0x38: {  	s10 =	sld [smem:$0x3FBC]  }
0x39: {  	_ = 	snop;
	(pc) =	sbr.ind lr, $3  }
0x3a: {  	_ = 	snop  }
0x3b: {  	_ = 	snop  }
0x3c: {  	p2 =	seq.s32 s10, $0x1;
	s10 =	sld [smem:$0x3FBB]  }
0x3d: {  	_ =	shalt  }
0x3e: {  	_ =	shalt  }
0x3f: {  	_ =	shalt  }
0x40: {  	_ =	shalt  }
0x41: {  	_ =	shalt  }
0x42: {  	_ =	shalt  }
0x43: {  	_ =	shalt  }
0x44: {  	_ =	shalt  }
0x45: {  	_ =	shalt  }
0x46: {  	_ =	shalt  }
0x47: {  	_ =	shalt  }
0x48: {  	_ =	shalt  }
0x49: {  	_ =	shalt  }
0x4a: {  	_ =	shalt  }
0x4b: {  	_ =	shalt  }
0x4c: {  	_ =	shalt  }
0x4d: {  	_ =	shalt  }
0x4e: {  	_ =	shalt  }
0x4f: {  	_ =	shalt  }
0x50: {  	_ =	shalt  }
0x51: {  	_ =	shalt  }
0x52: {  	_ =	shalt  }
0x53: {  	_ =	shalt  }
0x54: {  	_ =	shalt  }
0x55: {  	_ =	shalt  }
0x56: {  	_ =	shalt  }
0x57: {  	_ =	shalt  }
0x58: {  	_ =	shalt  }
0x59: {  	_ =	shalt  }
0x5a: {  	_ =	shalt  }
0x5b: {  	_ =	shalt  }
0x5c: {  	_ =	shalt  }
0x5d: {  	_ =	shalt  }
0x5e: {  	_ =	shalt  }
0x5f: {  	_ =	shalt  }
0x60: {  	_ =	shalt  }
0x61: {  	_ =	shalt  }
0x62: {  	_ =	shalt  }
0x63: {  	_ =	shalt  }
0x64: {  	_ =	shalt  }
0x65: {  	_ =	shalt  }
0x66: {  	_ =	shalt  }
0x67: {  	_ =	shalt  }
0x68: {  	_ =	shalt  }
0x69: {  	_ =	shalt  }
0x6a: {  	_ =	shalt  }
0x6b: {  	_ =	shalt  }
0x6c: {  	_ =	shalt  }
0x6d: {  	_ =	shalt  }
0x6e: {  	_ =	shalt  }
0x6f: {  	_ =	shalt  }
0x70: {  	_ =	shalt  }
0x71: {  	_ =	shalt  }
0x72: {  	_ =	shalt  }
0x73: {  	_ =	shalt  }
0x74: {  	_ =	shalt  }
0x75: {  	_ =	shalt  }
0x76: {  	_ =	shalt  }
0x77: {  	_ =	shalt  }
0x78: {  	_ =	shalt  }
0x79: {  	_ =	shalt  }
0x7a: {  	_ =	shalt  }
0x7b: {  	_ =	shalt  }
0x7c: {  	_ =	shalt  }
0x7d: {  	_ =	shalt  }
0x7e: {  	_ =	shalt  }
0x7f: {  	_ =	shalt  }
0x80: {  	_ =	shalt  }
0x81: {  	_ =	shalt  }
0x82: {  	_ =	shalt  }
0x83: {  	_ =	shalt  }
0x84: {  	_ =	shalt  }
0x85: {  	_ =	shalt  }
0x86: {  	_ =	shalt  }
0x87: {  	_ =	shalt  }
.Lfunc_end0:
.L_simem_size_0:
called_computation_lowered:
.L_overlay_start_0:
0x88: {  	s2 =	sld [smem:$0x3FD9]  }
0x89: {  	s3 =	sld [smem:$0x3FFE];
	_ =	sdelay $0x1  }
0x8a: {  	s1 =	srdreg.scid  }
0x8b: {  	s0 =	sand.u32 $0x1, s1  }
0x8c: {  	s16 =	sshll.u32 s0, $0xA;
	s2 =	sadd.s32 s3, s2  }
0x8d: {  	s2 =	sadd.s32 s2, s16  }
0x8e: {  	[smem:$0x3FC7] =	sst s2  }
0x8f: {  	_ = 	snop  }
0x90: {  	(tm) =	ssettm $0x1  }
0x91: {  	s17 =	sld [smem:$0x3FFB];
	_ =	sdelay $0x3  }
0x92: {  	_ =	strace s17  }
0x93: {  	s2 =	sld [smem:$0x3FFC];
	_ =	sdelay $0x3  }
0x94: {  	_ =	strace s2  }
0x95: {  	s2 =	sld [smem:$0x3FFD];
	_ =	sdelay $0x3  }
0x96: {  	_ =	strace s2  }
0x97: {  	_ =	strace $0x8FFFFFFF  }
0x98: {  	s18 =	sld [smem:$0x3FDB];
	_ =	sdelay $0x1  }
0x99: {  	s19 =	simm.s32 $_scs_section_size  }
0x9a: {  	s4 =	simm.s32 $_size__tile_overlayer_lowered;
	s5 =	simm.s32 $_tile_overlayer_lowered  }
0x9b: {  	s22 =	simm.s32 $0x1BFF;
	s21 =	sshll.u32 s5, $0x1;
	s2 =	sadd.s32 s19, s18  }
0x9c: {  	s6 =	simm.s32 $0x0;
	s20 =	sshll.u32 s4, $0x1;
	s4 =	sadd.s32 s21, s2  }
0x9d: {  	[timem:s6], [sflag:s22] =	dma.local [hbm:s4], s20  }
0x9e: {  	_ =	swait.ge [sflag:s22], s20  }
0x9f: {  	s3 =	ssub.s32 $0x0, s20;
	[sflag:s22] =	ssyncset.done $0x0  }
0xa0: {  	[sflag:s22] =	ssyncadd.s32 s3;
	_ =	sdelay $0x1  }
0xa1: {  	s23 =	simm.s32 $0x1B8B  }
0xa2: {  	_ =	swait.ge [sflag:s23], $0x1  }
0xa3: {  	[sflag:s23] =	ssyncset.done $0x0  }
0xa4: {  	s25 =	simm.s32 $0x1B8E;
	s24 =	sld [smem:$0x3FFE];
	[sflag:s23] =	ssyncadd.s32 $0xFFFFFFFF  }
0xa5: {  	s26 =	simm.s32 $execute0_lowered;
	[smem:$0x3FD2] =	sst s25  }
0xa6: {  	s4 =	sshll.u32 s26, $0x1;
	_ =	strace $0x80000046;
	[dreg:$0x1] =	wrdreg $0xFFFFFFFF  }
0xa7: {  	s28 =	simm.s32 $_size_execute0_lowered;
	s2 =	sadd.s32 s2, s4;
	[dreg:$0x0] =	wrdreg $0x0  }
0xa8: {  	s4 =	sshll.u32 s28, $0x1;
	[dreg:$0x2] =	wrdreg s2  }
0xa9: {  	[dreg:$0x3] =	wrdreg s4  }
0xaa: {  	[dreg:$0x4] =	wrdreg $0xC0  }
0xab: {  	_ =	task [dreg:s6], $0x5FFFF  }
0xac: {  	[dreg:$0x1] =	wrdreg $0xFFFFFFFF  }
0xad: {  	[dreg:$0x0] =	wrdreg $0x60  }
0xae: {  	[dreg:$0x2] =	wrdreg s24  }
0xaf: {  	[dreg:$0x3] =	wrdreg $0x9  }
0xb0: {  	_ =	task.clear_ibuf [dreg:s6], $0x4FFFF;
	_ =	strace $0x90000046  }
0xb1: {  	s29 =	simm.s32 $0x9;
	_ =	strace $0x80000048  }
0xb2: {  	_ =	swait.ge [sflag:s29], $0x1  }
0xb3: {  	[sflag:s29] =	ssyncadd.s32 $0xFFFFFFFF  }
0xb4: {  	_ =	strace $0x90000048  }
0xb5: {  	_ =	sfence  }
0xb6: {  	s30 =	sld [smem:$0x0];
	_ =	sdelay $0x2  }
0xb7: {  	s31 =	sshll.u32 s1, $0xD;
	s1 =	sshrl.u32 s1, $0x2  }
0xb8: {  	s3 =	sand.u32 $0x4000, s31;
	s1 =	sadd.s32 s1, s30  }
0xb9: {  	s0 =	sor.u32 s3, s0;
	s1 =	sshll.u32 s1, $0x11  }
0xba: {  	s0 =	sor.u32 s1, s0  }
0xbb: {  	s0 =	sadd.s32 $0x8F2B, s0  }
0xbc: {  	[sflag:s0] =	ssyncadd.remote.s32 $0x1  }
0xbd: {  	_ =	sfence.sel $0xFFFF  }
0xbe: {  	[dreg:$0x0] =	wrdreg $0xFFFFFFFF;
	(pc) =	sbr.abs _section_cstart, $3  }
0xbf: {  	[dreg:$0x1] =	wrdreg $0xFFFFFFFF  }
0xc0: {  	_ =	task.clear_ibuf [dreg:s6], $0x2FFFF;
	_ =	strace $0x9FFFFFFF  }
0xc1: {  	(tm) =	ssettm $0x7FFFFFFF  }
tec
execute0_lowered:
.L_overlay_start_1:
0x0: {  	(tag) =	ssettag $0x1  }
0x1: {  	v0 =	vimm.s32 $0xFEDCBA98;
	v1 =	vimm.s32 $0x76543210  }
0x2: {  	v3 =	vimm.s32 $0x32107654;
	v4 =	vimm.s32 $0xDCFE98BA;
	v5 =	vimm.s32 $0x54761032  }
0x3: {  	v6 =	vimm.s32 $0xEFCDAB89;
	v7 =	vimm.s32 $0x67452301;
	v0 =	vunpack.c.l.s4.s8 v0  }
0x4: {  	v1 =	vunpack.c.l.s4.s8 v1;
	v3 =	vunpack.c.l.s4.s8 v3;
	v4 =	vunpack.c.l.s4.s8 v4  }
0x5: {  	s4 =	rddreg [dreg:$0x0];
	s2 =	srdreg.scid;
	v5 =	vunpack.c.l.s4.s8 v5;
	v2 =	vunpack.c.0.s8.s32 v0;
	v0 =	vimm.s32 $0xBA98FEDC  }
0x6: {  	s0 =	rddreg [dreg:$0x1];
	s1 =	simm.s32 $0x0;
	s9 =	simm.s32 $0x1;
	v6 =	vunpack.c.l.s4.s8 v6;
	v7 =	vunpack.c.l.s4.s8 v7;
	v0 =	vunpack.c.l.s4.s8 v0  }
0x7: {  	s10 =	simm.s32 $0x18700;
	s11 =	simm.s32 $0x19700;
	s12 =	simm.s32 $0x0;
	v3 =	vunpack.c.0.s8.s32 v3;
	v4 =	vunpack.c.0.s8.s32 v4;
	v5 =	vunpack.c.0.s8.s32 v5  }
0x8: {  	s5 =	sand.u32 $0x1, s2;
	[smem:$0x7FF] =	sst s1;
	s2 =	stileid.u32;
	v6 =	vunpack.c.0.s8.s32 v6;
	v7 =	vunpack.c.0.s8.s32 v7;
	v0 =	vunpack.c.0.s8.s32 v0  }
0x9: {  	s3 =	sadd.s32 $0x400, s4;
	s6 =	ssub.s32 $0x2, s5;
	s8 =	smul.u32 $0xC3800, s2;
	v8 =	vunpack.c.0.s8.s32 v1;
	v1 =	vcombine.low v5, v4  }
0xa: {  	s4 =	sadd.s32 $0x187400, s4;
	s5 =	sshll.u32 s5, $0x9;
	s7 =	sshrl.u32 s6, $0x1;
	v0 =	vcombine.low v3, v0;
	v3 =	vand.u32 $0xF, v2;
	v2 =	vcombine.low v7, v6  }
0xb: {  	_ =	strace $0x80000047;
	s6 =	ssub.s32 s6, s7;
	s5 =	sor.u32 s8, s5;
	v4 =	vimm.f32 $0.0e+00;
	v5 =	vimm.s32 $0x0;
	v3 =	vcombine.low v3, v8  }
0xc: {  	s7 =	simm.s32 $0x80;
	s8 =	simm.s32 $0x400;
	s6 =	smax.u32 s6, $0x1;
	v7 =	vand.u32 $0xF, v1;
	v6 =	vand.u32 $0xF, v0;
	v8 =	vand.u32 $0xF, v2  }
.LBB2_1:
0xd: {  	s13 =	simm.s32 $0x0  }
.LBB2_2:
0xe: {  	s14 =	sshll.u32 s13, $0x7  }
0xf: {  	s14 =	sadd.s32 s5, s14  }
0x10: {  	s14 =	sshrl.u32 s14, $0x3  }
0x11: {  	s15 =	simm.s32 $0x0;
	s16 =	sadd.s32 s3, s14  }
0x12: {  	[tilespmem:s15], [sflag:$0x1] =	stream.strided.gather [hbm4b:s16+s7], $0x18700, s8, s7, $0x38;
	[tilespmem:$0x19B00] =	vst v63  }
0x13: {  	_ =	swait.ge [sflag:s9], $0x18700  }
0x14: {  	[sflag:s9] =	ssyncset.done $0x0  }
0x15: {  	s16 =	simm.s32 $0x50;
	[sflag:s9] =	ssyncadd.s32 $0xFFFE7900  }
0x16: {  	v13 =	vld [tilespmem:s16+$0x10]  }
0x17: {  	v9 =	vld [tilespmem:s16+$0x20]  }
0x18: {  	v10 =	vld [tilespmem:s16+$0x40]  }
0x19: {  	v14 =	vld [tilespmem:s16+$0xFFFFFFD0]  }
0x1a: {  	v11 =	vld [tilespmem:s16+$0xFFFFFFE0]  }
0x1b: {  	v12 =	vld [tilespmem:s16+$0xFFFFFFF0]  }
0x1c: {  	v15 =	vimm.f32 $-Inf;
	v19 =	vld [tilespmem:s16+$0xFFFFFFB0]  }
0x1d: {  	s17 =	simm.s32 $0xA0;
	v17 =	vimm.f32 $-Inf;
	v18 =	vimm.f32 $-Inf;
	v16 =	vimm.f32 $-Inf;
	v20 =	vld [tilespmem:s16+$0xFFFFFFC0]  }
.LBB2_3:
0x1e: {  	p0 =	sne.s32 s17, $0x18600;
	v21 =	vld [tilespmem:s16+$0x0];
	s18 =	sand.u32 $0x3FFE0, s15;
	s15 =	smov.u32 s17  }
0x1f: {  	s16 =	sadd.s32 $0xA0, s16;
	v22 =	vld [tilespmem:s18+$0x80]  }
0x20: {  	v23 =	vld [tilespmem:s16+$0x10]  }
0x21: {  	v14 =	vmax.f32 v15, v14;
	v24 =	vld [tilespmem:s16+$0x20]  }
0x22: {  	v15 =	vmax.f32 v14, v13;
	v17 =	vmax.f32 v17, v19;
	v25 =	vld [tilespmem:s16+$0x40];
	v18 =	vmax.f32 v18, v20  }
.Ltmp0:
0x23: {  	v19 =	vmax.f32 v16, v11;
	v12 =	vmax.f32 v17, v12;
	v14 =	vld [tilespmem:s16+$0xFFFFFFD0];
	v18 =	vmax.f32 v18, v21;
	(pc) =	sbr.rel @p0 .LBB2_3-.Ltmp0, $4  }
0x24: {  	v16 =	vmax.f32 v19, v9;
	v11 =	vld [tilespmem:s16+$0xFFFFFFE0];
	v17 =	vmax.f32 v12, v22;
	v18 =	vmax.f32 v18, v10  }
0x25: {  	v12 =	vld [tilespmem:s16+$0xFFFFFFF0];
	v13 =	vmov v23  }
0x26: {  	v19 =	vld [tilespmem:s16+$0xFFFFFFB0];
	v9 =	vmov v24  }
0x27: {  	s17 =	sadd.s32 $0xA0, s17;
	v20 =	vld [tilespmem:s16+$0xFFFFFFC0];
	v10 =	vmov v25  }
0x28: {  	v21 =	vld [tilespmem:s16+$0x0];
	s15 =	sand.u32 $0x3FFE0, s15  }
0x29: {  	v22 =	vld [tilespmem:s15+$0x80];
	_ =	sdelay $0x1  }
0x2a: {  	v14 =	vmax.f32 v15, v14  }
0x2b: {  	v13 =	vmax.f32 v14, v13;
	v61 =	vmax.f32 v17, v19;
	v62 =	vmax.f32 v18, v20  }
0x2c: {  	v11 =	vmax.f32 v16, v11;
	v12 =	vmax.f32 v61, v12;
	v63 =	vmax.f32 v62, v21  }
0x2d: {  	v9 =	vmax.f32 v11, v9;
	v11 =	vmax.f32 v12, v22;
	v10 =	vmax.f32 v63, v10  }
0x2e: {  	v9 =	vmax.f32 v13, v9;
	v10 =	vmax.f32 v11, v10  }
0x2f: {  	v9 =	vmax.f32 v10, v9  }
0x30: {  	v10 =	vperm.xlane v9, v3;
	_ =	sdelay $0x1  }
0x31: {  	v9 =	vmax.f32 v9, v10  }
0x32: {  	v10 =	vperm.xlane v9, v0;
	_ =	sdelay $0x1  }
0x33: {  	v9 =	vmax.f32 v9, v10  }
0x34: {  	v10 =	vperm.xlane v9, v1;
	_ =	sdelay $0x1  }
0x35: {  	v9 =	vmax.f32 v9, v10  }
0x36: {  	s16 =	simm.s32 $0x400;
	s15 =	simm.s32 $0x0;
	v10 =	vperm.xlane v9, v2  }
.LBB2_5:
0x37: {  	p0 =	sne.s32 s16, $0x3C00;
	[tilespmem:s15+$0x187F0] =	vst v4  }
0x38: {  	[tilespmem:s15+$0x18700] =	vst v4  }
0x39: {  	[tilespmem:s15+$0x18710] =	vst v4  }
0x3a: {  	[tilespmem:s15+$0x18720] =	vst v4  }
0x3b: {  	[tilespmem:s15+$0x18730] =	vst v4  }
0x3c: {  	[tilespmem:s15+$0x18740] =	vst v4  }
0x3d: {  	[tilespmem:s15+$0x18750] =	vst v4  }
0x3e: {  	[tilespmem:s15+$0x18760] =	vst v4  }
0x3f: {  	[tilespmem:s15+$0x18770] =	vst v4  }
0x40: {  	[tilespmem:s15+$0x18780] =	vst v4  }
0x41: {  	[tilespmem:s15+$0x18790] =	vst v4  }
.Ltmp1:
0x42: {  	[tilespmem:s15+$0x187A0] =	vst v4;
	(pc) =	sbr.rel @p0 .LBB2_5-.Ltmp1, $4  }
0x43: {  	[tilespmem:s15+$0x187B0] =	vst v4  }
0x44: {  	[tilespmem:s15+$0x187C0] =	vst v4  }
0x45: {  	[tilespmem:s15+$0x187D0] =	vst v4  }
0x46: {  	[tilespmem:s15+$0x187E0] =	vst v4;
	s15 =	sshra.s32 s16, $0x2;
	s16 =	sadd.s32 $0x400, s16  }
0x47: {  	[tilespmem:s15+$0x187F0] =	vst v4  }
0x48: {  	[tilespmem:s15+$0x18700] =	vst v4  }
0x49: {  	[tilespmem:s15+$0x18710] =	vst v4  }
0x4a: {  	[tilespmem:s15+$0x18720] =	vst v4  }
0x4b: {  	[tilespmem:s15+$0x18730] =	vst v4  }
0x4c: {  	[tilespmem:s15+$0x18740] =	vst v4  }
0x4d: {  	[tilespmem:s15+$0x18750] =	vst v4  }
0x4e: {  	[tilespmem:s15+$0x18760] =	vst v4  }
0x4f: {  	[tilespmem:s15+$0x18770] =	vst v4  }
0x50: {  	[tilespmem:s15+$0x18780] =	vst v4  }
0x51: {  	[tilespmem:s15+$0x18790] =	vst v4  }
0x52: {  	[tilespmem:s15+$0x187A0] =	vst v4  }
0x53: {  	[tilespmem:s15+$0x187B0] =	vst v4  }
0x54: {  	[tilespmem:s15+$0x187C0] =	vst v4  }
0x55: {  	[tilespmem:s15+$0x187D0] =	vst v4  }
0x56: {  	[tilespmem:s15+$0x187E0] =	vst v4;
	s31 =	simm.s32 $0x0  }
0x57: {  	v11 =	vld [tilespmem:s31+$0x0];
	_ =	sdelay $0x3  }
0x58: {  	v9 =	vmax.f32 v9, v10  }
0x59: {  	v10 =	vsub.f32 v11, v9;
	_ =	sdelay $0x1  }
0x5a: {  	v11 =	vsub.f32 v9, v11;
	v10 =	vmul.f32 $1.442695020e+00, v10;
	_ =	sdelay $0x1  }
0x5b: {  	v11 =	vmul.f32 $2.560000000e+02, v11;
	(erf) = vpow2.f32 v10;
	_ =	sdelay $0x1  }
0x5c: {  	v10 =	vmin.f32 v11, $4.095000000e+03  }
0x5d: {  	v10 =	vtrunc.f32 v10  }
0x5e: {  	v10 =	vcvt.f32.s32 v10;
	_ =	sdelay $0x4  }
0x5f: {  	v11 =	vpop (erf)  }
0x60: {  	[tilespmem:v10+s10+$0x0] =	vst.idx.add.f32.msk $0xffff, v11  }
0x61: {  	v10 =	vld [tilespmem:s31+$0x10];
	_ =	sdelay $0x4  }
0x62: {  	v11 =	vsub.f32 v10, v9;
	_ =	sdelay $0x1  }
0x63: {  	v10 =	vsub.f32 v9, v10;
	v11 =	vmul.f32 $1.442695020e+00, v11;
	_ =	sdelay $0x1  }
0x64: {  	v10 =	vmul.f32 $2.560000000e+02, v10;
	(erf) = vpow2.f32 v11;
	_ =	sdelay $0x1  }
0x65: {  	v10 =	vmin.f32 v10, $4.095000000e+03  }
0x66: {  	v10 =	vtrunc.f32 v10  }
0x67: {  	v10 =	vcvt.f32.s32 v10;
	_ =	sdelay $0x4  }
0x68: {  	v11 =	vpop (erf)  }
0x69: {  	[tilespmem:v10+s10+$0x0] =	vst.idx.add.f32.msk $0xffff, v11  }
0x6a: {  	v10 =	vld [tilespmem:s31+$0x20];
	_ =	sdelay $0x4  }
0x6b: {  	v11 =	vsub.f32 v10, v9;
	_ =	sdelay $0x1  }
0x6c: {  	v10 =	vsub.f32 v9, v10;
	v11 =	vmul.f32 $1.442695020e+00, v11;
	_ =	sdelay $0x1  }
0x6d: {  	v10 =	vmul.f32 $2.560000000e+02, v10;
	(erf) = vpow2.f32 v11;
	_ =	sdelay $0x1  }
0x6e: {  	v10 =	vmin.f32 v10, $4.095000000e+03  }
0x6f: {  	v10 =	vtrunc.f32 v10  }
0x70: {  	v10 =	vcvt.f32.s32 v10;
	_ =	sdelay $0x4  }
0x71: {  	v11 =	vpop (erf)  }
0x72: {  	[tilespmem:v10+s10+$0x0] =	vst.idx.add.f32.msk $0xffff, v11  }
0x73: {  	v10 =	vld [tilespmem:s31+$0x30];
	_ =	sdelay $0x4  }
0x74: {  	v11 =	vsub.f32 v10, v9;
	_ =	sdelay $0x1  }
0x75: {  	v10 =	vsub.f32 v9, v10;
	v11 =	vmul.f32 $1.442695020e+00, v11;
	_ =	sdelay $0x1  }
0x76: {  	v10 =	vmul.f32 $2.560000000e+02, v10;
	(erf) = vpow2.f32 v11;
	_ =	sdelay $0x1  }
0x77: {  	v10 =	vmin.f32 v10, $4.095000000e+03  }
0x78: {  	v10 =	vtrunc.f32 v10  }
0x79: {  	v10 =	vcvt.f32.s32 v10;
	_ =	sdelay $0x4  }
0x7a: {  	v11 =	vpop (erf)  }
0x7b: {  	[tilespmem:v10+s10+$0x0] =	vst.idx.add.f32.msk $0xffff, v11  }
0x7c: {  	v10 =	vld [tilespmem:s31+$0x40];
	_ =	sdelay $0x4  }
0x7d: {  	v11 =	vsub.f32 v10, v9;
	_ =	sdelay $0x1  }
0x7e: {  	v11 =	vmul.f32 $1.442695020e+00, v11  }
0x7f: {  	v10 =	vsub.f32 v9, v10  }
0x80: {  	(erf) = vpow2.f32 v11  }
0x81: {  	v10 =	vmul.f32 $2.560000000e+02, v10;
	_ =	sdelay $0x1  }
0x82: {  	v10 =	vmin.f32 v10, $4.095000000e+03  }
0x83: {  	v10 =	vtrunc.f32 v10  }
0x84: {  	v10 =	vcvt.f32.s32 v10;
	_ =	sdelay $0x3  }
0x85: {  	s15 =	simm.s32 $0x140;
	s16 =	simm.s32 $0x280;
	v11 =	vpop (erf)  }
.LBB2_7:
0x86: {  	p0 =	sne.s32 s16, $0x61940  }
0x87: {  	s17 =	sshra.s32 s15, $0x2;
	[tilespmem:v10+s10+$0x0] =	vst.idx.add.f32.msk $0xffff, v11;
	s15 =	smov.u32 s16;
	s16 =	sadd.s32 $0x140, s16  }
0x88: {  	v10 =	vld [tilespmem:s17+$0x0];
	_ =	sdelay $0x4  }
0x89: {  	v11 =	vsub.f32 v9, v10;
	v10 =	vsub.f32 v10, v9;
	_ =	sdelay $0x1  }
0x8a: {  	v10 =	vmul.f32 $1.442695020e+00, v10;
	v11 =	vmul.f32 $2.560000000e+02, v11;
	_ =	sdelay $0x1  }
0x8b: {  	v11 =	vmin.f32 v11, $4.095000000e+03;
	(erf) = vpow2.f32 v10  }
0x8c: {  	v10 =	vtrunc.f32 v11;
	_ =	sdelay $0x2  }
0x8d: {  	v10 =	vcvt.f32.s32 v10;
	_ =	sdelay $0x4  }
0x8e: {  	v11 =	vpop (erf)  }
0x8f: {  	[tilespmem:v10+s10+$0x0] =	vst.idx.add.f32.msk $0xffff, v11  }
0x90: {  	v10 =	vld [tilespmem:s17+$0x10];
	_ =	sdelay $0x4  }
0x91: {  	v11 =	vsub.f32 v9, v10;
	v10 =	vsub.f32 v10, v9;
	_ =	sdelay $0x1  }
0x92: {  	v10 =	vmul.f32 $1.442695020e+00, v10;
	v11 =	vmul.f32 $2.560000000e+02, v11;
	_ =	sdelay $0x1  }
0x93: {  	v11 =	vmin.f32 v11, $4.095000000e+03;
	(erf) = vpow2.f32 v10  }
0x94: {  	v10 =	vtrunc.f32 v11;
	_ =	sdelay $0x2  }
0x95: {  	v10 =	vcvt.f32.s32 v10;
	_ =	sdelay $0x4  }
0x96: {  	v11 =	vpop (erf)  }
0x97: {  	[tilespmem:v10+s10+$0x0] =	vst.idx.add.f32.msk $0xffff, v11  }
0x98: {  	v10 =	vld [tilespmem:s17+$0x20];
	_ =	sdelay $0x4  }
0x99: {  	v11 =	vsub.f32 v9, v10;
	v10 =	vsub.f32 v10, v9;
	_ =	sdelay $0x1  }
0x9a: {  	v10 =	vmul.f32 $1.442695020e+00, v10;
	v11 =	vmul.f32 $2.560000000e+02, v11;
	_ =	sdelay $0x1  }
0x9b: {  	v11 =	vmin.f32 v11, $4.095000000e+03;
	(erf) = vpow2.f32 v10  }
0x9c: {  	v10 =	vtrunc.f32 v11;
	_ =	sdelay $0x2  }
0x9d: {  	v10 =	vcvt.f32.s32 v10;
	_ =	sdelay $0x4  }
0x9e: {  	v11 =	vpop (erf)  }
0x9f: {  	[tilespmem:v10+s10+$0x0] =	vst.idx.add.f32.msk $0xffff, v11  }
0xa0: {  	v10 =	vld [tilespmem:s17+$0x30];
	_ =	sdelay $0x4  }
0xa1: {  	v11 =	vsub.f32 v9, v10;
	v10 =	vsub.f32 v10, v9;
	_ =	sdelay $0x1  }
0xa2: {  	v10 =	vmul.f32 $1.442695020e+00, v10;
	v11 =	vmul.f32 $2.560000000e+02, v11;
	_ =	sdelay $0x1  }
0xa3: {  	v11 =	vmin.f32 v11, $4.095000000e+03;
	(erf) = vpow2.f32 v10  }
0xa4: {  	v10 =	vtrunc.f32 v11;
	_ =	sdelay $0x2  }
0xa5: {  	v10 =	vcvt.f32.s32 v10;
	_ =	sdelay $0x4  }
0xa6: {  	v11 =	vpop (erf)  }
0xa7: {  	[tilespmem:v10+s10+$0x0] =	vst.idx.add.f32.msk $0xffff, v11  }
0xa8: {  	v10 =	vld [tilespmem:s17+$0x40];
	_ =	sdelay $0x4  }
0xa9: {  	v11 =	vsub.f32 v9, v10;
	v10 =	vsub.f32 v10, v9;
	_ =	sdelay $0x1  }
0xaa: {  	v10 =	vmul.f32 $1.442695020e+00, v10;
	v11 =	vmul.f32 $2.560000000e+02, v11;
	_ =	sdelay $0x1  }
0xab: {  	v11 =	vmin.f32 v11, $4.095000000e+03;
	(erf) = vpow2.f32 v10  }
0xac: {  	v10 =	vtrunc.f32 v11;
	_ =	sdelay $0x2  }
0xad: {  	v10 =	vcvt.f32.s32 v10  }
.Ltmp2:
0xae: {  	(pc) =	sbr.rel @p0 .LBB2_7-.Ltmp2, $2  }
0xaf: {  	_ =	sdelay $0x2  }
0xb0: {  	v11 =	vpop (erf)  }
0xb1: {  	_ =	sdelay $0x3  }
0xb2: {  	s15 =	sshra.s32 s15, $0x2;
	[tilespmem:v10+s10+$0x0] =	vst.idx.add.f32.msk $0xffff, v11  }
0xb3: {  	v10 =	vld [tilespmem:s15+$0x0];
	_ =	sdelay $0x4  }
0xb4: {  	v11 =	vsub.f32 v10, v9;
	_ =	sdelay $0x1  }
0xb5: {  	v10 =	vsub.f32 v9, v10;
	v11 =	vmul.f32 $1.442695020e+00, v11;
	_ =	sdelay $0x1  }
0xb6: {  	v10 =	vmul.f32 $2.560000000e+02, v10;
	(erf) = vpow2.f32 v11;
	_ =	sdelay $0x1  }
0xb7: {  	v10 =	vmin.f32 v10, $4.095000000e+03  }
0xb8: {  	v10 =	vtrunc.f32 v10  }
0xb9: {  	v10 =	vcvt.f32.s32 v10;
	_ =	sdelay $0x4  }
0xba: {  	v11 =	vpop (erf)  }
0xbb: {  	[tilespmem:v10+s10+$0x0] =	vst.idx.add.f32.msk $0xffff, v11  }
0xbc: {  	v10 =	vld [tilespmem:s15+$0x10];
	_ =	sdelay $0x4  }
0xbd: {  	v11 =	vsub.f32 v10, v9;
	_ =	sdelay $0x1  }
0xbe: {  	v10 =	vsub.f32 v9, v10;
	v11 =	vmul.f32 $1.442695020e+00, v11;
	_ =	sdelay $0x1  }
0xbf: {  	v10 =	vmul.f32 $2.560000000e+02, v10;
	(erf) = vpow2.f32 v11;
	_ =	sdelay $0x1  }
0xc0: {  	v10 =	vmin.f32 v10, $4.095000000e+03  }
0xc1: {  	v10 =	vtrunc.f32 v10  }
0xc2: {  	v10 =	vcvt.f32.s32 v10;
	_ =	sdelay $0x4  }
0xc3: {  	v11 =	vpop (erf)  }
0xc4: {  	[tilespmem:v10+s10+$0x0] =	vst.idx.add.f32.msk $0xffff, v11  }
0xc5: {  	v10 =	vld [tilespmem:s15+$0x20];
	_ =	sdelay $0x4  }
0xc6: {  	v11 =	vsub.f32 v10, v9;
	_ =	sdelay $0x1  }
0xc7: {  	v10 =	vsub.f32 v9, v10;
	v11 =	vmul.f32 $1.442695020e+00, v11;
	_ =	sdelay $0x1  }
0xc8: {  	v10 =	vmul.f32 $2.560000000e+02, v10;
	(erf) = vpow2.f32 v11;
	_ =	sdelay $0x1  }
0xc9: {  	v10 =	vmin.f32 v10, $4.095000000e+03  }
0xca: {  	v10 =	vtrunc.f32 v10  }
0xcb: {  	v10 =	vcvt.f32.s32 v10;
	_ =	sdelay $0x4  }
0xcc: {  	v11 =	vpop (erf)  }
0xcd: {  	[tilespmem:v10+s10+$0x0] =	vst.idx.add.f32.msk $0xffff, v11  }
0xce: {  	v10 =	vld [tilespmem:s15+$0x30];
	_ =	sdelay $0x4  }
0xcf: {  	v11 =	vsub.f32 v10, v9;
	_ =	sdelay $0x1  }
0xd0: {  	v10 =	vsub.f32 v9, v10;
	v11 =	vmul.f32 $1.442695020e+00, v11;
	_ =	sdelay $0x1  }
0xd1: {  	v10 =	vmul.f32 $2.560000000e+02, v10;
	(erf) = vpow2.f32 v11;
	_ =	sdelay $0x1  }
0xd2: {  	v10 =	vmin.f32 v10, $4.095000000e+03  }
0xd3: {  	v10 =	vtrunc.f32 v10  }
0xd4: {  	v10 =	vcvt.f32.s32 v10;
	_ =	sdelay $0x4  }
0xd5: {  	v11 =	vpop (erf)  }
0xd6: {  	[tilespmem:v10+s10+$0x0] =	vst.idx.add.f32.msk $0xffff, v11  }
0xd7: {  	v10 =	vld [tilespmem:s15+$0x40];
	_ =	sdelay $0x4  }
0xd8: {  	v11 =	vsub.f32 v10, v9;
	_ =	sdelay $0x1  }
0xd9: {  	v10 =	vsub.f32 v9, v10;
	v11 =	vmul.f32 $1.442695020e+00, v11;
	_ =	sdelay $0x1  }
0xda: {  	v10 =	vmul.f32 $2.560000000e+02, v10;
	(erf) = vpow2.f32 v11;
	_ =	sdelay $0x1  }
0xdb: {  	v10 =	vmin.f32 v10, $4.095000000e+03  }
0xdc: {  	v10 =	vtrunc.f32 v10  }
0xdd: {  	v10 =	vcvt.f32.s32 v10;
	_ =	sdelay $0x4  }
0xde: {  	v11 =	vpop (erf)  }
0xdf: {  	s15 =	simm.s32 $0x0;
	[tilespmem:v10+s10+$0x0] =	vst.idx.add.f32.msk $0xffff, v11  }
0xe0: {  	v11 =	vld [tilespmem:s15+$0x18740]  }
0xe1: {  	v10 =	vld [tilespmem:s15+$0x18750]  }
0xe2: {  	v12 =	vld [tilespmem:s15+$0x18700]  }
0xe3: {  	v15 =	vimm.f32 $0.0e+00;
	v13 =	vld [tilespmem:s15+$0x18710]  }
0xe4: {  	s16 =	simm.s32 $0x200;
	v16 =	vimm.f32 $0.0e+00;
	v17 =	vimm.f32 $0.0e+00;
	v18 =	vimm.f32 $0.0e+00;
	v14 =	vld [tilespmem:s15+$0x18720]  }
.LBB2_9:
0xe5: {  	p0 =	sne.s32 s16, $0x3E00;
	v19 =	vld [tilespmem:s15+$0x18730];
	v20 =	vmov v11  }
0xe6: {  	v21 =	vld [tilespmem:s15+$0x18760];
	v22 =	vmov v10  }
0xe7: {  	v23 =	vld [tilespmem:s15+$0x18770];
	s15 =	sshra.s32 s16, $0x2  }
.Ltmp3:
0xe8: {  	v11 =	vld [tilespmem:s15+$0x18740];
	(pc) =	sbr.rel @p0 .LBB2_9-.Ltmp3, $4  }
0xe9: {  	v15 =	vadd.f32 v12, v15;
	v16 =	vadd.f32 v13, v16;
	v10 =	vld [tilespmem:s15+$0x18750]  }
0xea: {  	v17 =	vadd.f32 v14, v17;
	v12 =	vld [tilespmem:s15+$0x18700];
	v18 =	vadd.f32 v19, v18  }
0xeb: {  	v15 =	vadd.f32 v20, v15;
	v16 =	vadd.f32 v22, v16;
	v13 =	vld [tilespmem:s15+$0x18710]  }
0xec: {  	s16 =	sadd.s32 $0x200, s16;
	v17 =	vadd.f32 v21, v17;
	v14 =	vld [tilespmem:s15+$0x18720];
	v18 =	vadd.f32 v23, v18  }
0xed: {  	v19 =	vld [tilespmem:s15+$0x18730]  }
0xee: {  	v20 =	vld [tilespmem:s15+$0x18760]  }
0xef: {  	v21 =	vld [tilespmem:s15+$0x18770];
	_ =	sdelay $0x1  }
0xf0: {  	v12 =	vadd.f32 v12, v15;
	v13 =	vadd.f32 v13, v16  }
0xf1: {  	v14 =	vadd.f32 v14, v17;
	v15 =	vadd.f32 v19, v18  }
0xf2: {  	v11 =	vadd.f32 v11, v12;
	v10 =	vadd.f32 v10, v13  }
0xf3: {  	v12 =	vadd.f32 v20, v14;
	v13 =	vadd.f32 v21, v15;
	_ =	sdelay $0x1  }
0xf4: {  	v10 =	vadd.f32 v10, v11;
	v11 =	vadd.f32 v13, v12;
	_ =	sdelay $0x1  }
0xf5: {  	s29 =	simm.s32 $0x0;
	v10 =	vadd.f32 v11, v10  }
0xf6: {  	v17 =	vld [tilespmem:s29+$0x18700]  }
0xf7: {  	v11 =	vperm.xlane v10, v3;
	_ =	sdelay $0x1  }
0xf8: {  	v10 =	vadd.f32 v11, v10  }
0xf9: {  	s30 =	simm.s32 $0x10  }
0xfa: {  	v12 =	vperm.xlane v17, v3;
	v13 =	vld [tilespmem:s30+$0x18700];
	v11 =	vperm.xlane v10, v0;
	_ =	sdelay $0x1  }
0xfb: {  	v10 =	vadd.f32 v11, v10;
	v11 =	vadd.f32 v12, v17  }
0xfc: {  	(xrf2) =	vadd.scan.msk.f32 $0xffff, v17  }
0xfd: {  	v14 =	vperm.xlane v11, v0  }
0xfe: {  	v15 =	vperm.xlane v13, v3;
	v12 =	vperm.xlane v10, v1  }
0xff: {  	v11 =	vadd.f32 v14, v11  }
0x100: {  	s31 =	simm.s32 $0x20;
	v10 =	vadd.f32 v12, v10;
	v12 =	vadd.f32 v15, v13  }
0x101: {  	(xrf2) =	vadd.scan.msk.f32 $0xffff, v13;
	v14 =	vld [tilespmem:s31+$0x18700];
	v16 =	vperm.xlane v11, v1  }
0x102: {  	v18 =	vperm.xlane v12, v0  }
0x103: {  	v16 =	vadd.f32 v16, v11  }
0x104: {  	v15 =	vperm.xlane v10, v2  }
0x105: {  	v12 =	vadd.f32 v18, v12;
	v19 =	vperm.xlane v16, v2  }
0x106: {  	s16 =	simm.s32 $0x30;
	v10 =	vadd.f32 v15, v10;
	v11 =	vperm.xlane v14, v3;
	v18, _, _ =	vpop (xrf2);
	(xrf2) =	vadd.scan.msk.f32 $0xffff, v14  }
0x107: {  	v15 =	vimm.f32 $0.0e+00;
	v20 =	vperm.xlane v12, v1;
	v23 =	vadd.f32 v19, v16;
	v16 =	vld [tilespmem:s16+$0x18700]  }
0x108: {  	v10 =	vmul.f32 $9.499999880e-01, v10;
	v18 =	vadd.f32 v18, v15;
	v21 =	vadd.f32 v11, v14  }
0x109: {  	v11 =	vimm.s32 $0x0  }
0x10a: {  	v19 =	vadd.f32 v20, v12;
	vm0 =	vlt.f32 v18, v10;
	v22 =	vperm.xlane v21, v0  }
0x10b: {  	s15 =	simm.s32 $0x100;
	v20, _, _ =	vpop (xrf2);
	v12 =	vadd.f32 v23, v15;
	v18 =	vsel vm0, $0x1, v5;
	v17 =	vnsel vm0, $0x0, v17  }
.LBB2_11:
0x10c: {  	s16 =	sshra.s32 s15, $0x2;
	p0 =	sne.s32 s15, $0x3FC0;
	s15 =	sadd.s32 $0x40, s15;
	v23 =	vperm.xlane v16, v3;
	(xrf2) =	vadd.scan.msk.f32 $0xffff, v16;
	v24 =	vadd.f32 v22, v21;
	v22 =	vperm.xlane v19, v2  }
.Ltmp4:
0x10d: {  	v26 =	vadd.f32 v20, v12;
	v11 =	vadd.s32 v18, v11;
	v15 =	vadd.f32 v17, v15;
	v25 =	vmovc v16;
	v16 =	vld [tilespmem:s16+$0x18700];
	(pc) =	sbr.rel @p0 .LBB2_11-.Ltmp4, $4  }
0x10e: {  	v21 =	vadd.f32 v23, v25;
	v17 =	vperm.xlane v24, v1;
	v18 =	vadd.f32 v22, v19  }
0x10f: {  	vm0 =	vlt.f32 v26, v10  }
0x110: {  	v22 =	vperm.xlane v21, v0;
	v19 =	vadd.f32 v17, v24;
	v20, _, _ =	vpop (xrf2);
	v12 =	vadd.f32 v18, v12  }
0x111: {  	v18 =	vsel vm0, $0x1, v5;
	v17 =	vnsel vm0, $0x0, v13;
	v13 =	vmovc v14;
	v14 =	vmov v25  }
0x112: {  	[tilespmem:$0x19700] =	vst v4  }
0x113: {  	[tilespmem:$0x19710] =	vst v4  }
0x114: {  	[tilespmem:$0x19720] =	vst v4  }
0x115: {  	[tilespmem:$0x19730] =	vst v4  }
0x116: {  	[tilespmem:$0x19740] =	vst v4  }
0x117: {  	[tilespmem:$0x19750] =	vst v4  }
0x118: {  	[tilespmem:$0x19760] =	vst v4  }
0x119: {  	[tilespmem:$0x19770] =	vst v4  }
0x11a: {  	[tilespmem:$0x19780] =	vst v4  }
0x11b: {  	[tilespmem:$0x19790] =	vst v4  }
0x11c: {  	[tilespmem:$0x197A0] =	vst v4  }
0x11d: {  	[tilespmem:$0x197B0] =	vst v4  }
0x11e: {  	[tilespmem:$0x197C0] =	vst v4  }
0x11f: {  	[tilespmem:$0x197D0] =	vst v4  }
0x120: {  	[tilespmem:$0x197E0] =	vst v4  }
0x121: {  	[tilespmem:$0x197F0] =	vst v4  }
0x122: {  	[tilespmem:$0x19800] =	vst v4  }
0x123: {  	[tilespmem:$0x19810] =	vst v4  }
0x124: {  	[tilespmem:$0x19820] =	vst v4  }
0x125: {  	[tilespmem:$0x19830] =	vst v4  }
0x126: {  	[tilespmem:$0x19840] =	vst v4  }
0x127: {  	[tilespmem:$0x19850] =	vst v4  }
0x128: {  	[tilespmem:$0x19860] =	vst v4  }
0x129: {  	[tilespmem:$0x19870] =	vst v4  }
0x12a: {  	[tilespmem:$0x19880] =	vst v4  }
0x12b: {  	[tilespmem:$0x19890] =	vst v4  }
0x12c: {  	[tilespmem:$0x198A0] =	vst v4  }
0x12d: {  	[tilespmem:$0x198B0] =	vst v4  }
0x12e: {  	[tilespmem:$0x198C0] =	vst v4  }
0x12f: {  	[tilespmem:$0x198D0] =	vst v4  }
0x130: {  	[tilespmem:$0x198E0] =	vst v4  }
0x131: {  	[tilespmem:$0x198F0] =	vst v4  }
0x132: {  	[tilespmem:$0x19900] =	vst v4  }
0x133: {  	[tilespmem:$0x19910] =	vst v4  }
0x134: {  	[tilespmem:$0x19920] =	vst v4  }
0x135: {  	[tilespmem:$0x19930] =	vst v4  }
0x136: {  	v21 =	vadd.f32 v22, v21;
	[tilespmem:$0x19940] =	vst v4  }
0x137: {  	(xrf2) =	vadd.scan.msk.f32 $0xffff, v16;
	[tilespmem:$0x19950] =	vst v4  }
0x138: {  	[tilespmem:$0x19960] =	vst v4;
	v22 =	vperm.xlane v21, v1  }
0x139: {  	[tilespmem:$0x19970] =	vst v4  }
0x13a: {  	v56 =	vperm.xlane v19, v2;
	[tilespmem:$0x19980] =	vst v4;
	v21 =	vadd.f32 v22, v21  }
0x13b: {  	[tilespmem:$0x19990] =	vst v4  }
0x13c: {  	[tilespmem:$0x199A0] =	vst v4;
	v19 =	vadd.f32 v56, v19;
	v57 =	vperm.xlane v21, v2  }
0x13d: {  	[tilespmem:$0x199B0] =	vst v4  }
0x13e: {  	[tilespmem:$0x199C0] =	vst v4;
	v19 =	vadd.f32 v19, v12;
	v21 =	vadd.f32 v57, v21  }
0x13f: {  	[tilespmem:$0x199D0] =	vst v4  }
0x140: {  	[tilespmem:$0x199E0] =	vst v4;
	v12 =	vadd.f32 v20, v12;
	v58, _, _ =	vpop (xrf2);
	v21 =	vadd.f32 v21, v19  }
0x141: {  	[tilespmem:$0x199F0] =	vst v4;
	v19 =	vadd.f32 v58, v19;
	v59, _, _ =	vpop (xrf2)  }
0x142: {  	[tilespmem:$0x19A00] =	vst v4;
	vm0 =	vlt.f32 v12, v10;
	v12 =	vadd.f32 v59, v21  }
0x143: {  	v11 =	vadd.s32 v18, v11;
	[tilespmem:$0x19A10] =	vst v4;
	v18 =	vsel vm0, $0x1, v5;
	vm1 =	vlt.f32 v19, v10  }
0x144: {  	[tilespmem:$0x19A20] =	vst v4;
	v11 =	vadd.s32 v18, v11;
	v18 =	vsel vm1, $0x1, v5;
	vm2 =	vlt.f32 v12, v10  }
0x145: {  	[tilespmem:$0x19A30] =	vst v4;
	v11 =	vadd.s32 v18, v11;
	v12 =	vsel vm2, $0x1, v5  }
0x146: {  	[tilespmem:$0x19A40] =	vst v4;
	v11 =	vadd.s32 v12, v11  }
0x147: {  	[tilespmem:$0x19A50] =	vst v4;
	v12 =	vperm.xlane v11, v3  }
0x148: {  	[tilespmem:$0x19A60] =	vst v4  }
0x149: {  	[tilespmem:$0x19A70] =	vst v4;
	v11 =	vadd.s32 v11, v12  }
0x14a: {  	[tilespmem:$0x19A80] =	vst v4;
	v12 =	vperm.xlane v11, v6  }
0x14b: {  	[tilespmem:$0x19A90] =	vst v4  }
0x14c: {  	[tilespmem:$0x19AA0] =	vst v4;
	v11 =	vadd.s32 v12, v11  }
0x14d: {  	[tilespmem:$0x19AB0] =	vst v4;
	v12 =	vperm.xlane v11, v7  }
0x14e: {  	[tilespmem:$0x19AC0] =	vst v4  }
0x14f: {  	[tilespmem:$0x19AD0] =	vst v4;
	v11 =	vadd.s32 v12, v11  }
0x150: {  	[tilespmem:$0x19AE0] =	vst v4;
	v12 =	vperm.xlane v11, v8  }
0x151: {  	[tilespmem:$0x19AF0] =	vst v4;
	s15 =	simm.s32 $0x0  }
0x152: {  	v18 =	vld [tilespmem:s15+$0x0];
	v11 =	vadd.s32 v12, v11  }
0x153: {  	vm3 =	vlt.s32 v11, $0xFFF  }
0x154: {  	v12 =	vnsel vm3, $0xFFF, v11  }
0x155: {  	v11 =	vcvt.s32.f32 v12;
	_ =	sdelay $0x1  }
0x156: {  	v19 =	vsub.f32 v9, v18;
	v11 =	vmul.f32 $3.906250000e-03, v11  }
0x157: {  	v18 =	vsub.f32 v18, v9  }
0x158: {  	v60 =	vsub.f32 v19, v11  }
0x159: {  	v18 =	vmul.f32 $1.442695020e+00, v18;
	v19 =	vmul.f32 $2.560000000e+02, v19  }
0x15a: {  	v20 =	vmul.f32 $2.621440000e+05, v60  }
0x15b: {  	(erf) = vpow2.f32 v18;
	v19 =	vmin.f32 v19, $4.095000000e+03  }
0x15c: {  	v18 =	vtrunc.f32 v19;
	v19 =	vmax.f32 v20, $0.0e+00  }
0x15d: {  	v18 =	vcvt.f32.s32 v18;
	v19 =	vmin.f32 v19, $1.023000000e+03  }
0x15e: {  	v19 =	vtrunc.f32 v19  }
0x15f: {  	vm3 =	veq.s32 v12, v18;
	v18 =	vcvt.f32.s32 v19;
	_ =	sdelay $0x4  }
0x160: {  	v19 =	vpop (erf)  }
0x161: {  	[tilespmem:v18+s11+$0x0] =	vst.idx.add.f32.msk vm3, v19  }
0x162: {  	v18 =	vld [tilespmem:s15+$0x10];
	_ =	sdelay $0x4  }
0x163: {  	v19 =	vsub.f32 v9, v18  }
0x164: {  	v18 =	vsub.f32 v18, v9  }
0x165: {  	v61 =	vsub.f32 v19, v11  }
0x166: {  	v18 =	vmul.f32 $1.442695020e+00, v18;
	v19 =	vmul.f32 $2.560000000e+02, v19  }
0x167: {  	v20 =	vmul.f32 $2.621440000e+05, v61  }
0x168: {  	v19 =	vmin.f32 v19, $4.095000000e+03;
	(erf) = vpow2.f32 v18  }
0x169: {  	v18 =	vtrunc.f32 v19;
	v19 =	vmax.f32 v20, $0.0e+00  }
0x16a: {  	v18 =	vcvt.f32.s32 v18;
	v19 =	vmin.f32 v19, $1.023000000e+03  }
0x16b: {  	v19 =	vtrunc.f32 v19  }
0x16c: {  	vm3 =	veq.s32 v12, v18;
	v18 =	vcvt.f32.s32 v19;
	_ =	sdelay $0x4  }
0x16d: {  	v19 =	vpop (erf)  }
0x16e: {  	[tilespmem:v18+s11+$0x0] =	vst.idx.add.f32.msk vm3, v19  }
0x16f: {  	v18 =	vld [tilespmem:s15+$0x20];
	_ =	sdelay $0x4  }
0x170: {  	v19 =	vsub.f32 v9, v18  }
0x171: {  	v18 =	vsub.f32 v18, v9  }
0x172: {  	v62 =	vsub.f32 v19, v11  }
0x173: {  	v18 =	vmul.f32 $1.442695020e+00, v18;
	v19 =	vmul.f32 $2.560000000e+02, v19  }
0x174: {  	v20 =	vmul.f32 $2.621440000e+05, v62  }
0x175: {  	v19 =	vmin.f32 v19, $4.095000000e+03;
	(erf) = vpow2.f32 v18  }
0x176: {  	v18 =	vtrunc.f32 v19;
	v19 =	vmax.f32 v20, $0.0e+00  }
0x177: {  	v18 =	vcvt.f32.s32 v18;
	v19 =	vmin.f32 v19, $1.023000000e+03  }
0x178: {  	v19 =	vtrunc.f32 v19  }
0x179: {  	vm3 =	veq.s32 v12, v18;
	v18 =	vcvt.f32.s32 v19;
	_ =	sdelay $0x4  }
0x17a: {  	v19 =	vpop (erf)  }
0x17b: {  	[tilespmem:v18+s11+$0x0] =	vst.idx.add.f32.msk vm3, v19  }
0x17c: {  	v18 =	vld [tilespmem:s15+$0x30];
	_ =	sdelay $0x4  }
0x17d: {  	v19 =	vsub.f32 v9, v18  }
0x17e: {  	v18 =	vsub.f32 v18, v9  }
0x17f: {  	v63 =	vsub.f32 v19, v11  }
0x180: {  	v18 =	vmul.f32 $1.442695020e+00, v18;
	v19 =	vmul.f32 $2.560000000e+02, v19  }
0x181: {  	v20 =	vmul.f32 $2.621440000e+05, v63  }
0x182: {  	(erf) = vpow2.f32 v18;
	v18 =	vmin.f32 v19, $4.095000000e+03  }
0x183: {  	v18 =	vtrunc.f32 v18;
	v19 =	vmax.f32 v20, $0.0e+00  }
0x184: {  	v18 =	vcvt.f32.s32 v18;
	v19 =	vmin.f32 v19, $1.023000000e+03  }
0x185: {  	v19 =	vtrunc.f32 v19  }
0x186: {  	vm3 =	veq.s32 v12, v18;
	v18 =	vcvt.f32.s32 v19;
	_ =	sdelay $0x3  }
0x187: {  	v15 =	vadd.f32 v17, v15  }
0x188: {  	v13 =	vnsel vm0, $0x0, v13;
	v17 =	vpop (erf)  }
0x189: {  	v13 =	vadd.f32 v13, v15;
	[tilespmem:v18+s11+$0x0] =	vst.idx.add.f32.msk vm3, v17  }
0x18a: {  	v14 =	vnsel vm1, $0x0, v14;
	v15 =	vld [tilespmem:s15+$0x40]  }
0x18b: {  	v13 =	vadd.f32 v14, v13  }
0x18c: {  	v14 =	vnsel vm2, $0x0, v16  }
0x18d: {  	v13 =	vadd.f32 v14, v13;
	_ =	sdelay $0x1  }
0x18e: {  	v16 =	vperm.xlane v13, v3;
	v14 =	vsub.f32 v15, v9;
	_ =	sdelay $0x1  }
0x18f: {  	v13 =	vadd.f32 v16, v13;
	v14 =	vmul.f32 $1.442695020e+00, v14  }
0x190: {  	v15 =	vsub.f32 v9, v15  }
0x191: {  	(erf) = vpow2.f32 v14;
	v14 =	vperm.xlane v13, v6  }
0x192: {  	v16 =	vsub.f32 v15, v11  }
0x193: {  	v13 =	vadd.f32 v14, v13;
	v14 =	vmul.f32 $2.560000000e+02, v15  }
0x194: {  	v15 =	vmul.f32 $2.621440000e+05, v16  }
0x195: {  	v16 =	vperm.xlane v13, v7;
	v14 =	vmin.f32 v14, $4.095000000e+03  }
0x196: {  	v15 =	vmax.f32 v15, $0.0e+00;
	v14 =	vtrunc.f32 v14  }
0x197: {  	v13 =	vadd.f32 v16, v13;
	v16 =	vcvt.f32.s32 v14;
	v14 =	vmin.f32 v15, $1.023000000e+03  }
0x198: {  	v15 =	vtrunc.f32 v14  }
0x199: {  	vm0 =	veq.s32 v12, v16;
	v15 =	vcvt.f32.s32 v15;
	_ =	sdelay $0x3  }
0x19a: {  	s16 =	simm.s32 $0x280;
	s15 =	simm.s32 $0x140;
	v14 =	vperm.xlane v13, v8;
	v16 =	vpop (erf)  }
.LBB2_13:
0x19b: {  	p0 =	sne.s32 s16, $0x61940  }
0x19c: {  	s17 =	sshra.s32 s15, $0x2;
	[tilespmem:v15+s11+$0x0] =	vst.idx.add.f32.msk vm0, v16;
	s15 =	smov.u32 s16;
	s16 =	sadd.s32 $0x140, s16  }
0x19d: {  	v15 =	vld [tilespmem:s17+$0x0];
	_ =	sdelay $0x4  }
0x19e: {  	v16 =	vsub.f32 v9, v15;
	v15 =	vsub.f32 v15, v9;
	_ =	sdelay $0x1  }
0x19f: {  	v15 =	vmul.f32 $1.442695020e+00, v15;
	v17 =	vmul.f32 $2.560000000e+02, v16;
	v16 =	vsub.f32 v16, v11;
	_ =	sdelay $0x1  }
0x1a0: {  	v17 =	vmin.f32 v17, $4.095000000e+03;
	v16 =	vmul.f32 $2.621440000e+05, v16  }
0x1a1: {  	v17 =	vtrunc.f32 v17;
	(erf) = vpow2.f32 v15  }
0x1a2: {  	v15 =	vcvt.f32.s32 v17;
	v16 =	vmax.f32 v16, $0.0e+00  }
0x1a3: {  	v16 =	vmin.f32 v16, $1.023000000e+03  }
0x1a4: {  	v16 =	vtrunc.f32 v16  }
0x1a5: {  	vm0 =	veq.s32 v12, v15;
	v15 =	vcvt.f32.s32 v16;
	_ =	sdelay $0x4  }
0x1a6: {  	v16 =	vpop (erf)  }
0x1a7: {  	[tilespmem:v15+s11+$0x0] =	vst.idx.add.f32.msk vm0, v16  }
0x1a8: {  	v15 =	vld [tilespmem:s17+$0x10];
	_ =	sdelay $0x4  }
0x1a9: {  	v16 =	vsub.f32 v9, v15;
	v15 =	vsub.f32 v15, v9;
	_ =	sdelay $0x1  }
0x1aa: {  	v15 =	vmul.f32 $1.442695020e+00, v15;
	v17 =	vmul.f32 $2.560000000e+02, v16;
	v16 =	vsub.f32 v16, v11;
	_ =	sdelay $0x1  }
0x1ab: {  	v17 =	vmin.f32 v17, $4.095000000e+03;
	v16 =	vmul.f32 $2.621440000e+05, v16  }
0x1ac: {  	v17 =	vtrunc.f32 v17;
	(erf) = vpow2.f32 v15  }
0x1ad: {  	v15 =	vcvt.f32.s32 v17;
	v16 =	vmax.f32 v16, $0.0e+00  }
0x1ae: {  	v16 =	vmin.f32 v16, $1.023000000e+03  }
0x1af: {  	v16 =	vtrunc.f32 v16  }
0x1b0: {  	vm0 =	veq.s32 v12, v15;
	v15 =	vcvt.f32.s32 v16;
	_ =	sdelay $0x4  }
0x1b1: {  	v16 =	vpop (erf)  }
0x1b2: {  	[tilespmem:v15+s11+$0x0] =	vst.idx.add.f32.msk vm0, v16  }
0x1b3: {  	v15 =	vld [tilespmem:s17+$0x20];
	_ =	sdelay $0x4  }
0x1b4: {  	v16 =	vsub.f32 v9, v15;
	v15 =	vsub.f32 v15, v9;
	_ =	sdelay $0x1  }
0x1b5: {  	v15 =	vmul.f32 $1.442695020e+00, v15;
	v17 =	vmul.f32 $2.560000000e+02, v16;
	v16 =	vsub.f32 v16, v11;
	_ =	sdelay $0x1  }
0x1b6: {  	v17 =	vmin.f32 v17, $4.095000000e+03;
	v16 =	vmul.f32 $2.621440000e+05, v16  }
0x1b7: {  	v17 =	vtrunc.f32 v17;
	(erf) = vpow2.f32 v15  }
0x1b8: {  	v15 =	vcvt.f32.s32 v17;
	v16 =	vmax.f32 v16, $0.0e+00  }
0x1b9: {  	v16 =	vmin.f32 v16, $1.023000000e+03  }
0x1ba: {  	v16 =	vtrunc.f32 v16  }
0x1bb: {  	vm0 =	veq.s32 v12, v15;
	v15 =	vcvt.f32.s32 v16;
	_ =	sdelay $0x4  }
0x1bc: {  	v16 =	vpop (erf)  }
0x1bd: {  	[tilespmem:v15+s11+$0x0] =	vst.idx.add.f32.msk vm0, v16  }
0x1be: {  	v15 =	vld [tilespmem:s17+$0x30];
	_ =	sdelay $0x4  }
0x1bf: {  	v16 =	vsub.f32 v9, v15;
	v15 =	vsub.f32 v15, v9;
	_ =	sdelay $0x1  }
0x1c0: {  	v15 =	vmul.f32 $1.442695020e+00, v15;
	v17 =	vmul.f32 $2.560000000e+02, v16;
	v16 =	vsub.f32 v16, v11;
	_ =	sdelay $0x1  }
0x1c1: {  	v17 =	vmin.f32 v17, $4.095000000e+03;
	v16 =	vmul.f32 $2.621440000e+05, v16  }
0x1c2: {  	v17 =	vtrunc.f32 v17;
	(erf) = vpow2.f32 v15  }
0x1c3: {  	v15 =	vcvt.f32.s32 v17;
	v16 =	vmax.f32 v16, $0.0e+00  }
0x1c4: {  	v16 =	vmin.f32 v16, $1.023000000e+03  }
0x1c5: {  	v16 =	vtrunc.f32 v16  }
0x1c6: {  	vm0 =	veq.s32 v12, v15;
	v15 =	vcvt.f32.s32 v16;
	_ =	sdelay $0x4  }
0x1c7: {  	v16 =	vpop (erf)  }
0x1c8: {  	[tilespmem:v15+s11+$0x0] =	vst.idx.add.f32.msk vm0, v16  }
0x1c9: {  	v15 =	vld [tilespmem:s17+$0x40];
	_ =	sdelay $0x4  }
0x1ca: {  	v16 =	vsub.f32 v9, v15;
	v15 =	vsub.f32 v15, v9;
	_ =	sdelay $0x1  }
0x1cb: {  	v15 =	vmul.f32 $1.442695020e+00, v15;
	v17 =	vmul.f32 $2.560000000e+02, v16;
	v16 =	vsub.f32 v16, v11;
	_ =	sdelay $0x1  }
0x1cc: {  	v17 =	vmin.f32 v17, $4.095000000e+03;
	v16 =	vmul.f32 $2.621440000e+05, v16  }
0x1cd: {  	v17 =	vtrunc.f32 v17;
	(erf) = vpow2.f32 v15  }
0x1ce: {  	v15 =	vcvt.f32.s32 v17;
	v16 =	vmax.f32 v16, $0.0e+00  }
0x1cf: {  	v16 =	vmin.f32 v16, $1.023000000e+03  }
0x1d0: {  	v16 =	vtrunc.f32 v16  }
0x1d1: {  	vm0 =	veq.s32 v12, v15;
	v15 =	vcvt.f32.s32 v16  }
.Ltmp5:
0x1d2: {  	(pc) =	sbr.rel @p0 .LBB2_13-.Ltmp5, $2  }
0x1d3: {  	_ =	sdelay $0x2  }
0x1d4: {  	v16 =	vpop (erf)  }
0x1d5: {  	_ =	sdelay $0x4  }
0x1d6: {  	s15 =	sshra.s32 s15, $0x2;
	[tilespmem:v15+s11+$0x0] =	vst.idx.add.f32.msk vm0, v16  }
0x1d7: {  	v15 =	vld [tilespmem:s15+$0x0];
	_ =	sdelay $0x4  }
0x1d8: {  	v16 =	vsub.f32 v9, v15  }
0x1d9: {  	v15 =	vsub.f32 v15, v9  }
0x1da: {  	v17 =	vsub.f32 v16, v11  }
0x1db: {  	v15 =	vmul.f32 $1.442695020e+00, v15;
	v16 =	vmul.f32 $2.560000000e+02, v16  }
0x1dc: {  	v17 =	vmul.f32 $2.621440000e+05, v17  }
0x1dd: {  	v16 =	vmin.f32 v16, $4.095000000e+03;
	(erf) = vpow2.f32 v15  }
0x1de: {  	v15 =	vtrunc.f32 v16;
	v16 =	vmax.f32 v17, $0.0e+00  }
0x1df: {  	v15 =	vcvt.f32.s32 v15;
	v16 =	vmin.f32 v16, $1.023000000e+03  }
0x1e0: {  	v16 =	vtrunc.f32 v16  }
0x1e1: {  	vm0 =	veq.s32 v12, v15;
	v15 =	vcvt.f32.s32 v16;
	_ =	sdelay $0x4  }
0x1e2: {  	v16 =	vpop (erf)  }
0x1e3: {  	[tilespmem:v15+s11+$0x0] =	vst.idx.add.f32.msk vm0, v16  }
0x1e4: {  	v15 =	vld [tilespmem:s15+$0x10];
	_ =	sdelay $0x4  }
0x1e5: {  	v16 =	vsub.f32 v9, v15  }
0x1e6: {  	v15 =	vsub.f32 v15, v9  }
0x1e7: {  	v17 =	vsub.f32 v16, v11  }
0x1e8: {  	v15 =	vmul.f32 $1.442695020e+00, v15;
	v16 =	vmul.f32 $2.560000000e+02, v16  }
0x1e9: {  	v17 =	vmul.f32 $2.621440000e+05, v17  }
0x1ea: {  	v16 =	vmin.f32 v16, $4.095000000e+03;
	(erf) = vpow2.f32 v15  }
0x1eb: {  	v15 =	vtrunc.f32 v16;
	v16 =	vmax.f32 v17, $0.0e+00  }
0x1ec: {  	v15 =	vcvt.f32.s32 v15;
	v16 =	vmin.f32 v16, $1.023000000e+03  }
0x1ed: {  	v16 =	vtrunc.f32 v16  }
0x1ee: {  	vm0 =	veq.s32 v12, v15;
	v15 =	vcvt.f32.s32 v16;
	_ =	sdelay $0x4  }
0x1ef: {  	v16 =	vpop (erf)  }
0x1f0: {  	[tilespmem:v15+s11+$0x0] =	vst.idx.add.f32.msk vm0, v16  }
0x1f1: {  	v15 =	vld [tilespmem:s15+$0x20];
	_ =	sdelay $0x4  }
0x1f2: {  	v16 =	vsub.f32 v9, v15  }
0x1f3: {  	v15 =	vsub.f32 v15, v9  }
0x1f4: {  	v17 =	vsub.f32 v16, v11  }
0x1f5: {  	v15 =	vmul.f32 $1.442695020e+00, v15;
	v16 =	vmul.f32 $2.560000000e+02, v16  }
0x1f6: {  	v17 =	vmul.f32 $2.621440000e+05, v17  }
0x1f7: {  	v16 =	vmin.f32 v16, $4.095000000e+03;
	(erf) = vpow2.f32 v15  }
0x1f8: {  	v15 =	vtrunc.f32 v16;
	v16 =	vmax.f32 v17, $0.0e+00  }
0x1f9: {  	v15 =	vcvt.f32.s32 v15;
	v16 =	vmin.f32 v16, $1.023000000e+03  }
0x1fa: {  	v16 =	vtrunc.f32 v16  }
0x1fb: {  	vm0 =	veq.s32 v12, v15;
	v15 =	vcvt.f32.s32 v16;
	_ =	sdelay $0x4  }
0x1fc: {  	v16 =	vpop (erf)  }
0x1fd: {  	[tilespmem:v15+s11+$0x0] =	vst.idx.add.f32.msk vm0, v16  }
0x1fe: {  	v15 =	vld [tilespmem:s15+$0x30];
	_ =	sdelay $0x4  }
0x1ff: {  	v16 =	vsub.f32 v9, v15  }
0x200: {  	v15 =	vsub.f32 v15, v9  }
0x201: {  	v17 =	vsub.f32 v16, v11  }
0x202: {  	v15 =	vmul.f32 $1.442695020e+00, v15;
	v16 =	vmul.f32 $2.560000000e+02, v16  }
0x203: {  	v17 =	vmul.f32 $2.621440000e+05, v17  }
0x204: {  	v16 =	vmin.f32 v16, $4.095000000e+03;
	(erf) = vpow2.f32 v15  }
0x205: {  	v15 =	vtrunc.f32 v16;
	v16 =	vmax.f32 v17, $0.0e+00  }
0x206: {  	v15 =	vcvt.f32.s32 v15;
	v16 =	vmin.f32 v16, $1.023000000e+03  }
0x207: {  	v16 =	vtrunc.f32 v16  }
0x208: {  	vm0 =	veq.s32 v12, v15;
	v15 =	vcvt.f32.s32 v16;
	_ =	sdelay $0x4  }
0x209: {  	v16 =	vpop (erf)  }
0x20a: {  	[tilespmem:v15+s11+$0x0] =	vst.idx.add.f32.msk vm0, v16  }
0x20b: {  	v15 =	vld [tilespmem:s15+$0x40];
	_ =	sdelay $0x4  }
0x20c: {  	v16 =	vsub.f32 v9, v15  }
0x20d: {  	v15 =	vsub.f32 v15, v9  }
0x20e: {  	v17 =	vsub.f32 v16, v11  }
0x20f: {  	v15 =	vmul.f32 $1.442695020e+00, v15;
	v16 =	vmul.f32 $2.560000000e+02, v16  }
0x210: {  	v17 =	vmul.f32 $2.621440000e+05, v17  }
0x211: {  	v16 =	vmin.f32 v16, $4.095000000e+03;
	(erf) = vpow2.f32 v15  }
0x212: {  	v15 =	vtrunc.f32 v16;
	v16 =	vmax.f32 v17, $0.0e+00  }
0x213: {  	v15 =	vcvt.f32.s32 v15;
	v16 =	vmin.f32 v16, $1.023000000e+03  }
0x214: {  	v16 =	vtrunc.f32 v16  }
0x215: {  	vm0 =	veq.s32 v12, v15;
	v12 =	vcvt.f32.s32 v16;
	_ =	sdelay $0x4  }
0x216: {  	v15 =	vpop (erf)  }
0x217: {  	s28 =	simm.s32 $0x0;
	[tilespmem:v12+s11+$0x0] =	vst.idx.add.f32.msk vm0, v15  }
0x218: {  	v17 =	vld [tilespmem:s28+$0x19700];
	_ =	sdelay $0x4  }
0x219: {  	(xrf2) =	vadd.scan.msk.f32 $0xffff, v17  }
0x21a: {  	s29 =	simm.s32 $0x10  }
0x21b: {  	v15 =	vld [tilespmem:s29+$0x19700];
	v12 =	vperm.xlane v17, v3;
	_ =	sdelay $0x1  }
0x21c: {  	v12 =	vadd.f32 v12, v17;
	_ =	sdelay $0x1  }
0x21d: {  	v16 =	vperm.xlane v12, v0  }
0x21e: {  	v18 =	vperm.xlane v15, v3  }
0x21f: {  	s30 =	simm.s32 $0x20;
	v12 =	vadd.f32 v16, v12  }
0x220: {  	v18 =	vadd.f32 v18, v15;
	v16 =	vld [tilespmem:s30+$0x19700]  }
0x221: {  	v19 =	vperm.xlane v12, v1;
	v21, _, _ =	vpop (xrf2);
	(xrf2) =	vadd.scan.msk.f32 $0xffff, v15  }
0x222: {  	v20 =	vperm.xlane v18, v0  }
0x223: {  	v19 =	vadd.f32 v19, v12;
	v12 =	vadd.f32 v14, v13  }
0x224: {  	v20 =	vadd.f32 v20, v18;
	v14 =	vimm.f32 $0.0e+00  }
0x225: {  	v13 =	vperm.xlane v16, v3;
	v18 =	vadd.f32 v21, v14;
	v10 =	vsub.f32 v10, v12  }
0x226: {  	s31 =	simm.s32 $0x30;
	v23 =	vperm.xlane v20, v1;
	v22 =	vperm.xlane v19, v2  }
0x227: {  	(xrf2) =	vadd.scan.msk.f32 $0xffff, v16;
	v21 =	vadd.f32 v13, v16;
	v24 =	vsub.f32 v18, v17;
	vm0 =	vlt.f32 v18, v10;
	v18 =	vld [tilespmem:s31+$0x19700]  }
0x228: {  	v19 =	vadd.f32 v22, v19  }
0x229: {  	v20 =	vadd.f32 v23, v20;
	v22 =	vperm.xlane v21, v0  }
0x22a: {  	s15 =	simm.s32 $0x100;
	v13 =	vimm.s32 $0x0;
	vm1 =	vlt.f32 v24, v10;
	v19 =	vadd.f32 v19, v14  }
.LBB2_15:
0x22b: {  	v24 =	vadd.f32 v22, v21;
	v21, _, _ =	vpop (xrf2)  }
0x22c: {  	s16 =	sshra.s32 s15, $0x2;
	v23 =	vperm.xlane v18, v3;
	v22 =	vnsel vm1, $0x0, v17;
	v17 =	vmovc v15;
	v15 =	vmovc v16;
	v16 =	vmov v18;
	p0 =	sne.s32 s15, $0xFC0  }
.Ltmp6:
0x22d: {  	v18 =	vld [tilespmem:s16+$0x19700];
	v25 =	vadd.f32 v21, v19;
	v26 =	vperm.xlane v20, v2;
	v14 =	vadd.f32 v22, v14;
	(pc) =	sbr.rel @p0 .LBB2_15-.Ltmp6, $4  }
0x22e: {  	s15 =	sadd.s32 $0x40, s15;
	v21 =	vadd.f32 v23, v16;
	(xrf2) =	vadd.scan.msk.f32 $0xffff, v16;
	v23 =	vsel vm0, $0x1, v5  }
0x22f: {  	v27 =	vperm.xlane v24, v1;
	v28 =	vsub.f32 v25, v17;
	v26 =	vadd.f32 v26, v20  }
0x230: {  	vm0 =	vlt.f32 v25, v10;
	v13 =	vadd.s32 v23, v13;
	v22 =	vperm.xlane v21, v0  }
0x231: {  	v20 =	vadd.f32 v27, v24;
	vm1 =	vlt.f32 v28, v10;
	v19 =	vadd.f32 v26, v19  }
0x232: {  	v21 =	vadd.f32 v22, v21;
	_ =	sdelay $0x1  }
0x233: {  	(xrf2) =	vadd.scan.msk.f32 $0xffff, v18;
	v22 =	vperm.xlane v21, v1;
	_ =	sdelay $0x1  }
0x234: {  	v23 =	vperm.xlane v20, v2;
	v21 =	vadd.f32 v22, v21;
	_ =	sdelay $0x1  }
0x235: {  	v20 =	vadd.f32 v23, v20;
	v23 =	vperm.xlane v21, v2  }
0x236: {  	v22, _, _ =	vpop (xrf2)  }
0x237: {  	v22 =	vadd.f32 v22, v19  }
0x238: {  	v17 =	vnsel vm1, $0x0, v17;
	v19 =	vadd.f32 v20, v19;
	v20 =	vadd.f32 v23, v21  }
0x239: {  	v21 =	vsub.f32 v22, v15;
	v23, _, _ =	vpop (xrf2)  }
0x23a: {  	v23 =	vadd.f32 v23, v19;
	v19 =	vadd.f32 v20, v19  }
0x23b: {  	v14 =	vadd.f32 v17, v14;
	v17, _, _ =	vpop (xrf2)  }
0x23c: {  	vm13 =	vlt.f32 v21, v10;
	v20 =	vsub.f32 v23, v16;
	v17 =	vadd.f32 v17, v19  }
0x23d: {  	v15 =	vnsel vm13, $0x0, v15  }
0x23e: {  	v14 =	vadd.f32 v15, v14;
	vm14 =	vlt.f32 v20, v10;
	v15 =	vsub.f32 v17, v18  }
0x23f: {  	v16 =	vnsel vm14, $0x0, v16  }
0x240: {  	v14 =	vadd.f32 v16, v14;
	vm15 =	vlt.f32 v15, v10  }
0x241: {  	v15 =	vnsel vm15, $0x0, v18  }
0x242: {  	v14 =	vadd.f32 v15, v14  }
0x243: {  	vm4 =	vlt.f32 v22, v10;
	vm5 =	vlt.f32 v23, v10;
	v16 =	vsel vm0, $0x1, v5  }
0x244: {  	v13 =	vadd.s32 v16, v13;
	v15 =	vsel vm4, $0x1, v5;
	v16 =	vperm.xlane v14, v3  }
0x245: {  	vm6 =	vlt.f32 v17, v10;
	v13 =	vadd.s32 v15, v13;
	v15 =	vsel vm5, $0x1, v5  }
0x246: {  	v10 =	vadd.s32 v15, v13;
	v13 =	vsel vm6, $0x1, v5;
	v14 =	vadd.f32 v16, v14  }
0x247: {  	v10 =	vadd.s32 v13, v10  }
0x248: {  	v13 =	vperm.xlane v10, v3;
	v15 =	vperm.xlane v14, v6;
	_ =	sdelay $0x1  }
0x249: {  	v10 =	vadd.s32 v10, v13;
	v13 =	vadd.f32 v15, v14  }
0x24a: {  	v14 =	vperm.xlane v10, v6  }
0x24b: {  	v15 =	vperm.xlane v13, v7  }
0x24c: {  	v10 =	vadd.s32 v14, v10  }
0x24d: {  	v14 =	vperm.xlane v10, v7;
	v13 =	vadd.f32 v15, v13  }
0x24e: {  	s15 =	simm.s32 $0x50  }
0x24f: {  	v15 =	vld [tilespmem:s15+$0xFFFFFFF0];
	v10 =	vadd.s32 v14, v10;
	v14 =	vperm.xlane v13, v8  }
0x250: {  	v17 =	vld [tilespmem:s15+$0xFFFFFFB0];
	v16 =	vperm.xlane v10, v8  }
0x251: {  	v13 =	vadd.f32 v14, v13;
	v14 =	vld [tilespmem:s15+$0x20]  }
0x252: {  	v10 =	vadd.s32 v10, v16;
	v16 =	vld [tilespmem:s15+$0xFFFFFFD0]  }
0x253: {  	v12 =	vadd.f32 v13, v12;
	v13 =	vld [tilespmem:s15+$0x0]  }
0x254: {  	v18 =	vsub.f32 v15, v9  }
0x255: {  	v19 =	vld [tilespmem:s15+$0xFFFFFFC0];
	v20 =	vsub.f32 v17, v9;
	v12 =	vadd.f32 $0.0e+00, v12  }
0x256: {  	v21 =	vld [tilespmem:s15+$0xFFFFFFE0];
	v18 =	vmul.f32 $1.442695020e+00, v18;
	v23 =	vsub.f32 v14, v9  }
0x257: {  	v22 =	vld [tilespmem:s15+$0x10];
	(erf) = vrcp.f32 v12;
	v12 =	vmul.f32 $1.442695020e+00, v20;
	v20 =	vsub.f32 v16, v9  }
0x258: {  	v24 =	vsub.f32 v13, v9;
	v23 =	vmul.f32 $1.442695020e+00, v23;
	(erf) = vpow2.f32 v18  }
0x259: {  	v10 =	vadd.s32 $0x1, v10;
	v20 =	vmul.f32 $1.442695020e+00, v20;
	(erf) = vpow2.f32 v12  }
0x25a: {  	v18 =	vsub.f32 v19, v9;
	v24 =	vmul.f32 $1.442695020e+00, v24;
	(erf) = vpow2.f32 v23  }
0x25b: {  	v10 =	vcvt.s32.f32 v10;
	v12 =	vsub.f32 v21, v9;
	(erf) = vpow2.f32 v20  }
0x25c: {  	v23 =	vsub.f32 v22, v9;
	v18 =	vmul.f32 $1.442695020e+00, v18;
	(erf) = vpow2.f32 v24  }
0x25d: {  	v10 =	vmul.f32 $3.814697270e-06, v10;
	v12 =	vmul.f32 $1.442695020e+00, v12  }
0x25e: {  	v20 =	vmul.f32 $1.442695020e+00, v23;
	(erf) = vpow2.f32 v18  }
0x25f: {  	(erf) = vpow2.f32 v12  }
0x260: {  	v14 =	vsub.f32 v9, v14;
	v10 =	vadd.f32 v10, v11;
	(erf) = vpow2.f32 v20;
	v11 =	vpop (erf)  }
0x261: {  	v16 =	vsub.f32 v9, v16;
	v12 =	vsub.f32 v9, v15;
	v18 =	vpop (erf)  }
0x262: {  	v15 =	vsub.f32 v9, v17;
	v20 =	vsub.f32 v9, v21;
	v18 =	vmul.f32 v18, v11;
	v21 =	vpop (erf)  }
0x263: {  	v13 =	vsub.f32 v9, v13;
	vm7 =	vlt.f32 v12, v10;
	v12 =	vmul.f32 v21, v11;
	v21 =	vpop (erf)  }
0x264: {  	vm8 =	vlt.f32 v15, v10;
	v15 =	vnsel vm7, $0x0, v18;
	v18 =	vmul.f32 v21, v11;
	v21 =	vpop (erf)  }
0x265: {  	v19 =	vsub.f32 v9, v19;
	vm9 =	vlt.f32 v14, v10;
	v12 =	vnsel vm8, $0x0, v12;
	v14 =	vpop (erf)  }
0x266: {  	v21 =	vmul.f32 v21, v11;
	[tilespmem:s15+$0xFFFFFFB0] =	vst v12;
	v12 =	vmul.f32 v14, v11;
	v14 =	vnsel vm9, $0x0, v18  }
0x267: {  	vm10 =	vlt.f32 v16, v10;
	vm11 =	vlt.f32 v13, v10;
	[tilespmem:s15+$0xFFFFFFF0] =	vst v15;
	v15 =	vpop (erf)  }
0x268: {  	vm12 =	vlt.f32 v19, v10;
	v16 =	vnsel vm10, $0x0, v21;
	[tilespmem:s15+$0x20] =	vst v14;
	v15 =	vmul.f32 v15, v11;
	v13 =	vpop (erf)  }
0x269: {  	v17 =	vsub.f32 v9, v22;
	[tilespmem:s15+$0xFFFFFFD0] =	vst v16;
	v12 =	vnsel vm11, $0x0, v12;
	v13 =	vmul.f32 v13, v11;
	v14 =	vpop (erf)  }
0x26a: {  	vm13 =	vlt.f32 v20, v10;
	[tilespmem:s15+$0x0] =	vst v12;
	v15 =	vnsel vm12, $0x0, v15;
	v12 =	vmul.f32 v14, v11  }
0x26b: {  	vm14 =	vlt.f32 v17, v10;
	[tilespmem:s15+$0xFFFFFFC0] =	vst v15;
	v13 =	vnsel vm13, $0x0, v13  }
0x26c: {  	s16 =	simm.s32 $0x0;
	[tilespmem:s15+$0xFFFFFFE0] =	vst v13;
	v12 =	vnsel vm14, $0x0, v12  }
0x26d: {  	s16 =	sand.u32 $0x3FFE0, s16;
	[tilespmem:s15+$0x10] =	vst v12  }
0x26e: {  	v12 =	vld [tilespmem:s16+$0x80];
	_ =	sdelay $0x4  }
0x26f: {  	v13 =	vsub.f32 v12, v9;
	_ =	sdelay $0x1  }
0x270: {  	v13 =	vmul.f32 $1.442695020e+00, v13;
	_ =	sdelay $0x1  }
0x271: {  	(erf) = vpow2.f32 v13;
	_ =	sdelay $0x8  }
0x272: {  	v12 =	vsub.f32 v9, v12;
	v13 =	vpop (erf)  }
0x273: {  	v13 =	vmul.f32 v13, v11  }
0x274: {  	vm15 =	vlt.f32 v12, v10  }
0x275: {  	v12 =	vnsel vm15, $0x0, v13  }
0x276: {  	[tilespmem:s16+$0x80] =	vst v12  }
0x277: {  	s16 =	simm.s32 $0xF0;
	v12 =	vld [tilespmem:s15+$0x40]  }
0x278: {  	v15 =	vld [tilespmem:s16+$0xFFFFFFF0]  }
0x279: {  	v19 =	vld [tilespmem:s16+$0xFFFFFFB0]  }
0x27a: {  	v21 =	vld [tilespmem:s16+$0x10]  }
0x27b: {  	v13 =	vld [tilespmem:s16+$0x20]  }
0x27c: {  	v17 =	vld [tilespmem:s16+$0xFFFFFFD0];
	v14 =	vsub.f32 v9, v12;
	v12 =	vsub.f32 v12, v9  }
0x27d: {  	v18 =	vld [tilespmem:s16+$0x0];
	v16 =	vsub.f32 v9, v15;
	v23 =	vsub.f32 v15, v9  }
0x27e: {  	v15 =	vsub.f32 v9, v19;
	v24 =	vsub.f32 v19, v9;
	v19 =	vld [tilespmem:s16+$0xFFFFFFC0];
	v22 =	vmul.f32 $1.442695020e+00, v12  }
0x27f: {  	s17 =	simm.s32 $0xA0;
	s18 =	simm.s32 $0x140;
	v20 =	vld [tilespmem:s16+$0xFFFFFFE0];
	v23 =	vmul.f32 $1.442695020e+00, v23;
	v12 =	vsub.f32 v9, v21;
	v21 =	vsub.f32 v21, v9  }
.LBB2_17:
0x280: {  	p0 =	sne.s32 s18, $0x18600;
	v24 =	vmul.f32 $1.442695020e+00, v24;
	v25 =	vsub.f32 v13, v9;
	s19 =	smov.u32 s18;
	s18 =	sadd.s32 $0xA0, s18  }
0x281: {  	v26 =	vsub.f32 v17, v9;
	v21 =	vmul.f32 $1.442695020e+00, v21;
	(erf) = vpow2.f32 v22  }
0x282: {  	v22 =	vsub.f32 v18, v9;
	v25 =	vmul.f32 $1.442695020e+00, v25;
	(erf) = vpow2.f32 v23  }
0x283: {  	v23 =	vsub.f32 v19, v9;
	v26 =	vmul.f32 $1.442695020e+00, v26;
	(erf) = vpow2.f32 v24  }
0x284: {  	v24 =	vsub.f32 v20, v9;
	v22 =	vmul.f32 $1.442695020e+00, v22;
	(erf) = vpow2.f32 v25  }
0x285: {  	v17 =	vsub.f32 v9, v17;
	v23 =	vmul.f32 $1.442695020e+00, v23;
	(erf) = vpow2.f32 v26  }
0x286: {  	v18 =	vsub.f32 v9, v18;
	v24 =	vmul.f32 $1.442695020e+00, v24;
	(erf) = vpow2.f32 v22  }
0x287: {  	v19 =	vsub.f32 v9, v19;
	v20 =	vsub.f32 v9, v20;
	(erf) = vpow2.f32 v23  }
0x288: {  	(erf) = vpow2.f32 v24  }
0x289: {  	(erf) = vpow2.f32 v21  }
0x28a: {  	v21 =	vpop (erf)  }
0x28b: {  	v22 =	vpop (erf);
	v21 =	vmul.f32 v21, v11  }
0x28c: {  	vm0 =	vlt.f32 v16, v10;
	vm1 =	vlt.f32 v14, v10;
	v16 =	vmul.f32 v22, v11;
	v22 =	vpop (erf)  }
0x28d: {  	v23 =	vsub.f32 v9, v13;
	v14 =	vmul.f32 v22, v11;
	v22 =	vpop (erf);
	v21 =	vnsel vm1, $0x0, v21  }
0x28e: {  	vm1 =	vlt.f32 v15, v10;
	v24 =	vnsel vm0, $0x0, v16;
	v16 =	vmul.f32 v22, v11;
	v22 =	vpop (erf);
	[tilespmem:s15+$0x40] =	vst v21;
	s15 =	smov.u32 s16  }
0x28f: {  	vm0 =	vlt.f32 v23, v10;
	v25 =	vnsel vm1, $0x0, v14;
	v21 =	vmul.f32 v22, v11;
	[tilespmem:s16+$0xFFFFFFF0] =	vst v24;
	v13 =	vpop (erf)  }
0x290: {  	vm1 =	vlt.f32 v17, v10;
	[tilespmem:s16+$0xFFFFFFB0] =	vst v25;
	v13 =	vmul.f32 v13, v11;
	v17 =	vnsel vm0, $0x0, v16;
	v15 =	vpop (erf)  }
0x291: {  	vm0 =	vlt.f32 v18, v10;
	v15 =	vmul.f32 v15, v11;
	v21 =	vnsel vm1, $0x0, v21;
	[tilespmem:s16+$0x20] =	vst v17;
	v14 =	vpop (erf)  }
0x292: {  	vm1 =	vlt.f32 v19, v10;
	[tilespmem:s16+$0xFFFFFFD0] =	vst v21;
	v14 =	vmul.f32 v14, v11;
	v13 =	vnsel vm0, $0x0, v13;
	v16 =	vpop (erf)  }
0x293: {  	vm0 =	vlt.f32 v20, v10;
	v15 =	vnsel vm1, $0x0, v15;
	[tilespmem:s16+$0x0] =	vst v13;
	v13 =	vmul.f32 v16, v11  }
0x294: {  	[tilespmem:s16+$0xFFFFFFC0] =	vst v15;
	v14 =	vnsel vm0, $0x0, v14;
	vm0 =	vlt.f32 v12, v10  }
0x295: {  	[tilespmem:s16+$0xFFFFFFE0] =	vst v14;
	v12 =	vnsel vm0, $0x0, v13  }
0x296: {  	s20 =	sand.u32 $0x3FFE0, s17;
	s17 =	smov.u32 s19;
	[tilespmem:s16+$0x10] =	vst v12  }
0x297: {  	v12 =	vld [tilespmem:s20+$0x80];
	_ =	sdelay $0x4  }
0x298: {  	v13 =	vsub.f32 v9, v12;
	v12 =	vsub.f32 v12, v9;
	_ =	sdelay $0x1  }
0x299: {  	v12 =	vmul.f32 $1.442695020e+00, v12;
	_ =	sdelay $0x1  }
0x29a: {  	s16 =	sadd.s32 $0xA0, s16;
	(erf) = vpow2.f32 v12;
	_ =	sdelay $0x8  }
0x29b: {  	v12 =	vpop (erf)  }
0x29c: {  	v12 =	vmul.f32 v12, v11  }
0x29d: {  	vm0 =	vlt.f32 v13, v10  }
0x29e: {  	v12 =	vnsel vm0, $0x0, v12  }
0x29f: {  	[tilespmem:s20+$0x80] =	vst v12  }
0x2a0: {  	v12 =	vld [tilespmem:s15+$0x40]  }
0x2a1: {  	v15 =	vld [tilespmem:s16+$0xFFFFFFF0]  }
0x2a2: {  	v19 =	vld [tilespmem:s16+$0xFFFFFFB0]  }
0x2a3: {  	v21 =	vld [tilespmem:s16+$0x10]  }
.Ltmp7:
0x2a4: {  	v13 =	vld [tilespmem:s16+$0x20];
	(pc) =	sbr.rel @p0 .LBB2_17-.Ltmp7, $4  }
0x2a5: {  	v17 =	vld [tilespmem:s16+$0xFFFFFFD0];
	v14 =	vsub.f32 v9, v12;
	v12 =	vsub.f32 v12, v9  }
0x2a6: {  	v16 =	vsub.f32 v9, v15;
	v23 =	vsub.f32 v15, v9;
	v18 =	vld [tilespmem:s16+$0x0]  }
0x2a7: {  	v15 =	vsub.f32 v9, v19;
	v24 =	vsub.f32 v19, v9;
	v19 =	vld [tilespmem:s16+$0xFFFFFFC0];
	v22 =	vmul.f32 $1.442695020e+00, v12  }
0x2a8: {  	v20 =	vld [tilespmem:s16+$0xFFFFFFE0];
	v23 =	vmul.f32 $1.442695020e+00, v23;
	v12 =	vsub.f32 v9, v21;
	v21 =	vsub.f32 v21, v9  }
0x2a9: {  	v25 =	vsub.f32 v13, v9  }
0x2aa: {  	v24 =	vmul.f32 $1.442695020e+00, v24;
	(erf) = vpow2.f32 v22;
	v26 =	vsub.f32 v17, v9  }
0x2ab: {  	(erf) = vpow2.f32 v23;
	v36 =	vsub.f32 v18, v9;
	v25 =	vmul.f32 $1.442695020e+00, v25  }
0x2ac: {  	(erf) = vpow2.f32 v24;
	v37 =	vsub.f32 v19, v9;
	v26 =	vmul.f32 $1.442695020e+00, v26  }
0x2ad: {  	v38 =	vsub.f32 v20, v9;
	v22 =	vmul.f32 $1.442695020e+00, v36;
	(erf) = vpow2.f32 v25  }
0x2ae: {  	v23 =	vmul.f32 $1.442695020e+00, v37;
	(erf) = vpow2.f32 v26  }
0x2af: {  	v24 =	vmul.f32 $1.442695020e+00, v38;
	(erf) = vpow2.f32 v22  }
0x2b0: {  	v21 =	vmul.f32 $1.442695020e+00, v21;
	(erf) = vpow2.f32 v23  }
0x2b1: {  	(erf) = vpow2.f32 v24  }
0x2b2: {  	(erf) = vpow2.f32 v21  }
0x2b3: {  	vm0 =	vlt.f32 v16, v10;
	vm1 =	vlt.f32 v14, v10;
	v41 =	vpop (erf)  }
0x2b4: {  	v48 =	vsub.f32 v9, v13;
	vm7 =	vlt.f32 v15, v10;
	v44 =	vpop (erf);
	v21 =	vmul.f32 v41, v11  }
0x2b5: {  	v39 =	vsub.f32 v9, v17;
	v40 =	vsub.f32 v9, v18;
	v45 =	vmul.f32 v44, v11;
	v46 =	vpop (erf)  }
0x2b6: {  	vm8 =	vlt.f32 v48, v10;
	v47 =	vmul.f32 v46, v11;
	v21 =	vnsel vm1, $0x0, v21;
	v49 =	vpop (erf)  }
0x2b7: {  	v42 =	vsub.f32 v9, v19;
	v50 =	vnsel vm0, $0x0, v45;
	[tilespmem:s15+$0x40] =	vst v21;
	v51 =	vmul.f32 v49, v11;
	v52 =	vpop (erf)  }
0x2b8: {  	vm9 =	vlt.f32 v39, v10;
	v14 =	vnsel vm7, $0x0, v47;
	[tilespmem:s16+$0xFFFFFFF0] =	vst v50;
	v53 =	vmul.f32 v52, v11;
	v54 =	vpop (erf)  }
0x2b9: {  	v43 =	vsub.f32 v9, v20;
	[tilespmem:s16+$0xFFFFFFB0] =	vst v14;
	v13 =	vmul.f32 v54, v11;
	v55 =	vnsel vm8, $0x0, v51;
	v56 =	vpop (erf)  }
0x2ba: {  	vm10 =	vlt.f32 v40, v10;
	v15 =	vmul.f32 v56, v11;
	v57 =	vnsel vm9, $0x0, v53;
	[tilespmem:s16+$0x20] =	vst v55;
	v58 =	vpop (erf)  }
0x2bb: {  	vm11 =	vlt.f32 v42, v10;
	[tilespmem:s16+$0xFFFFFFD0] =	vst v57;
	v14 =	vmul.f32 v58, v11;
	v13 =	vnsel vm10, $0x0, v13;
	v59 =	vpop (erf)  }
0x2bc: {  	vm12 =	vlt.f32 v43, v10;
	v15 =	vnsel vm11, $0x0, v15;
	[tilespmem:s16+$0x0] =	vst v13;
	v60 =	vmul.f32 v59, v11  }
0x2bd: {  	vm13 =	vlt.f32 v12, v10;
	[tilespmem:s16+$0xFFFFFFC0] =	vst v15;
	v14 =	vnsel vm12, $0x0, v14  }
0x2be: {  	[tilespmem:s16+$0xFFFFFFE0] =	vst v14;
	v12 =	vnsel vm13, $0x0, v60  }
0x2bf: {  	s31 =	sand.u32 $0x3FFE0, s17;
	[tilespmem:s16+$0x10] =	vst v12  }
0x2c0: {  	v12 =	vld [tilespmem:s31+$0x80];
	_ =	sdelay $0x4  }
0x2c1: {  	v61 =	vsub.f32 v12, v9;
	_ =	sdelay $0x1  }
0x2c2: {  	v13 =	vmul.f32 $1.442695020e+00, v61;
	_ =	sdelay $0x1  }
0x2c3: {  	(erf) = vpow2.f32 v13;
	_ =	sdelay $0x8  }
0x2c4: {  	v12 =	vsub.f32 v9, v12;
	v13 =	vpop (erf)  }
0x2c5: {  	v13 =	vmul.f32 v13, v11  }
0x2c6: {  	vm14 =	vlt.f32 v12, v10  }
0x2c7: {  	v12 =	vnsel vm14, $0x0, v13  }
0x2c8: {  	[tilespmem:s31+$0x80] =	vst v12  }
0x2c9: {  	v12 =	vld [tilespmem:s16+$0x40];
	_ =	sdelay $0x4  }
0x2ca: {  	v62 =	vsub.f32 v12, v9;
	_ =	sdelay $0x1  }
0x2cb: {  	v13 =	vmul.f32 $1.442695020e+00, v62;
	_ =	sdelay $0x1  }
0x2cc: {  	(erf) = vpow2.f32 v13;
	_ =	sdelay $0x8  }
0x2cd: {  	v9 =	vsub.f32 v9, v12;
	v63 =	vpop (erf)  }
0x2ce: {  	v11 =	vmul.f32 v63, v11  }
0x2cf: {  	s13 =	sadd.s32 $0x1, s13;
	vm15 =	vlt.f32 v9, v10  }
0x2d0: {  	p0 =	sne.s32 s13, $0x4;
	v9 =	vnsel vm15, $0x0, v11  }
.Ltmp8:
0x2d1: {  	s14 =	sadd.s32 s4, s14;
	[tilespmem:s16+$0x40] =	vst v9;
	(pc) =	sbr.rel @p0 .LBB2_2-.Ltmp8, $4  }
0x2d2: {  	[hbm4b:s14+s7] =	stream.strided.scatter [tilespmem:s1], [sflag:$0x1], $0x18700, s8, s7, $0x38;
	[tilespmem:$0x19B00] =	vst v63  }
0x2d3: {  	_ =	swait.ge [sflag:s9], $0x18700  }
0x2d4: {  	[sflag:s9] =	ssyncset.done $0x0  }
0x2d5: {  	[sflag:s9] =	ssyncadd.s32 $0xFFFE7900  }
0x2d6: {  	s12 =	sadd.s32 $0x1, s12  }
0x2d7: {  	p0 =	sne.s32 s12, s6  }
.Ltmp9:
0x2d8: {  	_ = 	snop;
	(pc) =	sbr.rel @p0 .LBB2_1-.Ltmp9, $1  }
0x2d9: {  	_ =	sdelay $0x3  }
0x2da: {  	_ =	sfence.sel $0x180000  }
0x2db: {  	[bflag:$0x0] =	sbarrier.arrive $0xFFFF  }
0x2dc: {  	p0 =	sne.s32 s2, $0x0;
	_ =	strace $0x90000047  }
0x2dd: {  	s0 =	sadd.s32 @!p0 $0x100000, s0;
	[bflag:$0x2] =	sbarrier.arrive $0xFFFF  }
0x2de: {  	[sflag:s0] =	ssyncadd.tile.s32 @!p0 $0x1;
	_ =	shalt  }
.Lfunc_end2:
_tile_overlayer_lowered:
.L_overlay_start_2:
0x2df: {  	(tag) =	ssettag $0x2  }
0x2e0: {  	s0 =	rddreg [dreg:$0x0];
	s2 =	stileid.u32  }
0x2e1: {  	s1 =	rddreg [dreg:$0x1];
	p0 =	sne.s32 s2, $0x0  }
0x2e2: {  	s3 =	rddreg [dreg:$0x2];
	[bflag:$0x3] =	sbarrier.arrive $0xFFFF;
	s2 =	simm.s32 @!p0 $0x1C01  }
0x2e3: {  	[timem:s3], [sflag:s2] =	dma.local @!p0 [hbm:s0], s1  }
0x2e4: {  	s0 =	simm.s32 @!p0 $0x1  }
0x2e5: {  	_ =	swait.ge @!p0 [sflag:s0], s1  }
0x2e6: {  	s1 =	ssub.s32 @!p0 $0x0, s1;
	[sflag:s0] =	ssyncset.done @!p0 $0x0  }
0x2e7: {  	[sflag:s0] =	ssyncadd.s32 @!p0 s1  }
0x2e8: {  	[bflag:$0x3] =	sbarrier.arrive $0xFFFF  }
0x2e9: {  	_ =	shalt  }

</sc_bundles>
